<compile_context>
chip_gen: v7x
topology: tpu7x:2x2x1
jax: 0.10.2.dev20260603
libtpu: 0.0.44.dev20260713+nightly
codegen_flags: <defaults>
</compile_context>

<pallas_src>
import jax
import jax.numpy as jnp
from jax import lax
from jax.experimental import pallas as pl
from jax.experimental.pallas import tpu as pltpu
from jax.experimental.pallas import tpu_sc as plsc

N_NODES = 10000
N_EDGES = 160000
H = 256
HALF = 128
ROW = 128
N_ROWS = N_EDGES // ROW
N_SUB = 16
STRIPE = N_NODES // N_SUB
NBUF = 3


def _sc_segment_sum(ea, col, zeros):
    mesh = plsc.VectorSubcoreMesh(core_axis_name="c", subcore_axis_name="s")

    def body(ea_hbm, col_hbm, z_hbm, agg0_hbm, agg1_hbm, idx_v, rows_v, accum,
             sem):
        c = lax.axis_index("c")
        s = lax.axis_index("s")
        col0 = c * HALF
        base = N_ROWS // N_SUB
        rem = N_ROWS - base * N_SUB
        nch = jnp.where(s < rem, base + 1, base)

        def start(k, b):
            row = s + N_SUB * k
            pltpu.async_copy(col_hbm.at[:, pl.ds(row * ROW, ROW)], idx_v.at[b],
                             sem)
            pltpu.async_copy(ea_hbm.at[pl.ds(row * ROW, ROW),
                                       pl.ds(col0, HALF)],
                             rows_v.at[b], sem)

        def wait(b):
            pltpu.make_async_copy(col_hbm.at[:, pl.ds(0, ROW)], idx_v.at[b],
                                  sem).wait()
            pltpu.make_async_copy(ea_hbm.at[pl.ds(0, ROW), pl.ds(col0, HALF)],
                                  rows_v.at[b], sem).wait()

        for b in range(NBUF):
            start(b, b)
        pltpu.sync_copy(z_hbm, accum.at[pl.ds(s * STRIPE, STRIPE)])
        plsc.subcore_barrier()

        @pl.loop(0, (base + NBUF - 1) // NBUF * NBUF + NBUF, step=NBUF)
        def _(k):
            for b in range(NBUF):
                kk = k + b

                @pl.when(kk < nch)
                def _():
                    wait(b)
                    pltpu.sync_copy(rows_v.at[b], accum.at[idx_v.at[b, 1]],
                                    add=True)

                    @pl.when(kk + NBUF < nch)
                    def _():
                        start(kk + NBUF, b)

        plsc.subcore_barrier()
        a0 = (s * STRIPE) // 8 * 8
        a1 = jnp.where(s == N_SUB - 1, N_NODES, ((s + 1) * STRIPE) // 8 * 8)
        size = a1 - a0

        def writeout(dst_hbm, n):
            pltpu.sync_copy(accum.at[pl.ds(a0, n)], dst_hbm.at[pl.ds(a0, n)])

        for n in (624, 632):
            @pl.when((size == n) & (c == 0))
            def _():
                writeout(agg0_hbm, n)

            @pl.when((size == n) & (c == 1))
            def _():
                writeout(agg1_hbm, n)

    f = pl.kernel(
        body,
        out_type=[jax.ShapeDtypeStruct((N_NODES, HALF), jnp.float32),
                  jax.ShapeDtypeStruct((N_NODES, HALF), jnp.float32)],
        mesh=mesh,
        scratch_types=[
            pltpu.VMEM((NBUF, 2, ROW), jnp.int32),
            pltpu.VMEM((NBUF, ROW, HALF), jnp.float32),
            pltpu.VMEM_SHARED((N_NODES, HALF), jnp.float32),
            pltpu.SemaphoreType.DMA,
        ],
    )
    return f(ea, col, zeros)


BLK = 2000


def _mlp_partial(x, w1, b1):
    def body(x_ref, w1_ref, b1_ref, o_ref):
        o_ref[...] = (jnp.dot(x_ref[...], w1_ref[:H],
                              preferred_element_type=jnp.float32)
                      + b1_ref[...]).astype(jnp.bfloat16)

    return pl.pallas_call(
        body,
        grid=(N_NODES // BLK,),
        in_specs=[
            pl.BlockSpec((BLK, H), lambda i: (i, 0)),
            pl.BlockSpec((2 * H, H), lambda i: (0, 0)),
            pl.BlockSpec((1, H), lambda i: (0, 0)),
        ],
        out_specs=pl.BlockSpec((BLK, H), lambda i: (i, 0)),
        out_shape=jax.ShapeDtypeStruct((N_NODES, H), jnp.bfloat16),
    )(x, w1, b1)


def _mlp_final(partial, agg0, agg1, w1, w2, b2):
    def body(p_ref, a0_ref, a1_ref, w1_ref, w2_ref, b2_ref, o_ref):
        h = p_ref[...].astype(jnp.float32)
        h += jnp.dot(a0_ref[...], w1_ref[H:H + HALF],
                     preferred_element_type=jnp.float32)
        h += jnp.dot(a1_ref[...], w1_ref[H + HALF:],
                     preferred_element_type=jnp.float32)
        h = jnp.maximum(h, 0.0)
        o_ref[...] = (jnp.dot(h, w2_ref[...], preferred_element_type=jnp.float32)
                      + b2_ref[...])

    return pl.pallas_call(
        body,
        grid=(N_NODES // BLK,),
        in_specs=[
            pl.BlockSpec((BLK, H), lambda i: (i, 0)),
            pl.BlockSpec((BLK, HALF), lambda i: (i, 0)),
            pl.BlockSpec((BLK, HALF), lambda i: (i, 0)),
            pl.BlockSpec((2 * H, H), lambda i: (0, 0)),
            pl.BlockSpec((H, H), lambda i: (0, 0)),
            pl.BlockSpec((1, H), lambda i: (0, 0)),
        ],
        out_specs=pl.BlockSpec((BLK, H), lambda i: (i, 0)),
        out_shape=jax.ShapeDtypeStruct((N_NODES, H), jnp.float32),
    )(partial, agg0, agg1, w1, w2, b2)


def kernel(x, edge_index, edge_attr, u, batch, W1, b1, W2, b2):
    if edge_index.dtype != jnp.int32:
        edge_index = edge_index.astype(jnp.int32)
    zeros = jnp.zeros((STRIPE, HALF), jnp.float32)
    agg0, agg1 = _sc_segment_sum(edge_attr, edge_index, zeros)
    partial = _mlp_partial(x, W1, b1.reshape(1, H))
    return _mlp_final(partial, agg0, agg1, W1, W2, b2.reshape(1, H))

# --- scband reference (transcript-rebuilt; emitter-appended) ---
"""Pipeline reference for scband-node-model-88562225643708 (READ-ONLY COPY).

The authoritative reference and input builder live on the scoring server;
editing this copy changes nothing except your own understanding.
"""

import jax, jax.numpy as jnp
import numpy as np

N = 10000
E = 160000
H = 256

def setup_inputs(seed: int = 0) -> dict:
    key = jax.random.key(seed)
    k = jax.random.split(key, 10)
    x = jax.random.normal(k[0], (N, H), dtype=jnp.float32)
    edge_index = jax.random.randint(k[1], (2, E), 0, N, dtype=jnp.int64)
    edge_attr = jax.random.normal(k[2], (E, H), dtype=jnp.float32)
    u = jax.random.normal(k[3], (1, H), dtype=jnp.float32)
    batch = jnp.zeros((N,), dtype=jnp.int64)
    # nn.Linear(2H, H) then activation then nn.Linear(H, H)
    lim1 = 1.0 / np.sqrt(2 * H)
    W1 = jax.random.uniform(k[4], (2 * H, H), minval=-lim1, maxval=lim1, dtype=jnp.float32)
    b1 = jax.random.uniform(k[5], (H,), minval=-lim1, maxval=lim1, dtype=jnp.float32)
    lim2 = 1.0 / np.sqrt(H)
    W2 = jax.random.uniform(k[6], (H, H), minval=-lim2, maxval=lim2, dtype=jnp.float32)
    b2 = jax.random.uniform(k[7], (H,), minval=-lim2, maxval=lim2, dtype=jnp.float32)
    return {"x": x, "edge_index": edge_index, "edge_attr": edge_attr, "u": u, "batch": batch,
            "W1": W1, "b1": b1, "W2": W2, "b2": b2}

def reference(x, edge_index, edge_attr, u, batch, W1, b1, W2, b2):
    row, col = edge_index[0], edge_index[1]
    # scatter_add(edge_attr, col, dim=0, dim_size=N)
    aggregated_messages = jax.ops.segment_sum(edge_attr, col, num_segments=x.shape[0])
    combined_features = jnp.concatenate([x, aggregated_messages], axis=1)
    h = jnp.dot(combined_features, W1) + b1
    h = jax.nn.relu(h)
    out = jnp.dot(h, W2) + b2
    return out

if __name__ == "__main__":
    import jax
    _d = setup_inputs()
    print(jax.jit(kernel)(*tuple(_d.values())))

</pallas_src>

<mosaic_0001>
#map = affine_map<(d0, d1) -> (0, 0)>
module attributes {stable_mosaic.version = 14 : i64} {
  func.func @body(%arg0: i32, %arg1: i32, %arg2: memref<160000x256xf32, #tpu.memory_space<hbm>>, %arg3: memref<2x160000xi32, #tpu.memory_space<hbm>>, %arg4: memref<625x128xf32, #tpu.memory_space<hbm>>, %arg5: memref<10000x128xf32, #tpu.memory_space<hbm>>, %arg6: memref<10000x128xf32, #tpu.memory_space<hbm>>, %arg7: memref<3x2x128xi32, #tpu.memory_space<vmem>>, %arg8: memref<3x128x128xf32, #tpu.memory_space<vmem>>, %arg9: memref<10000x128xf32, #tpu.memory_space<vmem_shared>>, %arg10: memref<!tpu.dma_semaphore, #tpu.memory_space<semaphore_mem>>) attributes {dimension_semantics = [#tpu.dimension_semantics<core_parallel>, #tpu.dimension_semantics<subcore_parallel>], iteration_bounds = array<i64: 2, 16>, scalar_prefetch = 0 : i64, scratch_operands = 4 : i64, tpu.core_type = #tpu.core_type<sc_vector_subcore>, window_params = [{transform_indices = #map}, {transform_indices = #map}, {transform_indices = #map}, {transform_indices = #map}, {transform_indices = #map}]} {
    %mul3A = arith.constant 128 : i32
    %mul3A_0 = arith.muli %arg0, %mul3A : i32
    %lt3A = arith.constant 2 : i32
    %lt3A_1 = arith.cmpi slt, %arg1, %lt3A : i32
    %jit3A = arith.constant 79 : i32
    %jit3A_2 = arith.constant 78 : i32
    %select_n3A = arith.select %lt3A_1, %jit3A, %jit3A_2 : i32
    %add3A = arith.constant 0 : i32
    %add3A_3 = arith.addi %arg1, %add3A : i32
    %mul3A_4 = arith.constant 128 : i32
    %mul3A_5 = arith.muli %add3A_3, %mul3A_4 : i32
    %dma_start3A = arith.constant 0 : i32
    %dma_start3A_6 = arith.constant 0 : i32
    %dma_start3A_7 = arith.constant 0 : i32
    %dma_start3A_8 = tpu.memref_slice %arg7[%dma_start3A, %dma_start3A_6, %dma_start3A_7] : memref<3x2x128xi32, #tpu.memory_space<vmem>> -> memref<1x2x128xi32, #tpu.memory_space<vmem>>
    %dma_start3A_9 = tpu.memref_squeeze %dma_start3A_8 : memref<1x2x128xi32, #tpu.memory_space<vmem>> -> memref<2x128xi32, #tpu.memory_space<vmem>>
    %dma_start3A_10 = arith.constant 0 : i32
    %dma_start3A_11 = tpu.memref_slice %arg3[%dma_start3A_10, %mul3A_5] : memref<2x160000xi32, #tpu.memory_space<hbm>> -> memref<2x128xi32, #tpu.memory_space<hbm>>
    %dma_start3A_12 = arith.constant 0 : i32
    %dma_start3A_13 = arith.constant 0 : i32
    %dma_start3A_14 = tpu.memref_slice %arg7[%dma_start3A, %dma_start3A_12, %dma_start3A_13] : memref<3x2x128xi32, #tpu.memory_space<vmem>> -> memref<1x2x128xi32, #tpu.memory_space<vmem>>
    %dma_start3A_15 = tpu.memref_squeeze %dma_start3A_14 : memref<1x2x128xi32, #tpu.memory_space<vmem>> -> memref<2x128xi32, #tpu.memory_space<vmem>>
    %dma_start3A_16 = arith.constant 0 : i32
    %dma_start3A_17 = tpu.memref_slice %arg3[%dma_start3A_16, %mul3A_5] : memref<2x160000xi32, #tpu.memory_space<hbm>> -> memref<2x128xi32, #tpu.memory_space<hbm>>
    tpu.enqueue_dma source(%dma_start3A_17 : memref<2x128xi32, #tpu.memory_space<hbm>>) target(%dma_start3A_15 : memref<2x128xi32, #tpu.memory_space<vmem>>) target_semaphore(%arg10 : memref<!tpu.dma_semaphore, #tpu.memory_space<semaphore_mem>>)
    %mul3A_18 = arith.constant 128 : i32
    %mul3A_19 = arith.muli %add3A_3, %mul3A_18 : i32
    %dma_start3A_20 = arith.constant 0 : i32
    %dma_start3A_21 = arith.constant 0 : i32
    %dma_start3A_22 = arith.constant 0 : i32
    %dma_start3A_23 = tpu.memref_slice %arg8[%dma_start3A_20, %dma_start3A_21, %dma_start3A_22] : memref<3x128x128xf32, #tpu.memory_space<vmem>> -> memref<1x128x128xf32, #tpu.memory_space<vmem>>
    %dma_start3A_24 = tpu.memref_squeeze %dma_start3A_23 : memref<1x128x128xf32, #tpu.memory_space<vmem>> -> memref<128x128xf32, #tpu.memory_space<vmem>>
    %dma_start3A_25 = tpu.memref_slice %arg2[%mul3A_19, %mul3A_0] : memref<160000x256xf32, #tpu.memory_space<hbm>> -> memref<128x128xf32, #tpu.memory_space<hbm>>
    %dma_start3A_26 = arith.constant 0 : i32
    %dma_start3A_27 = arith.constant 0 : i32
    %dma_start3A_28 = tpu.memref_slice %arg8[%dma_start3A_20, %dma_start3A_26, %dma_start3A_27] : memref<3x128x128xf32, #tpu.memory_space<vmem>> -> memref<1x128x128xf32, #tpu.memory_space<vmem>>
    %dma_start3A_29 = tpu.memref_squeeze %dma_start3A_28 : memref<1x128x128xf32, #tpu.memory_space<vmem>> -> memref<128x128xf32, #tpu.memory_space<vmem>>
    %dma_start3A_30 = tpu.memref_slice %arg2[%mul3A_19, %mul3A_0] : memref<160000x256xf32, #tpu.memory_space<hbm>> -> memref<128x128xf32, #tpu.memory_space<hbm>>
    tpu.enqueue_dma source(%dma_start3A_30 : memref<128x128xf32, #tpu.memory_space<hbm>>) target(%dma_start3A_29 : memref<128x128xf32, #tpu.memory_space<vmem>>) target_semaphore(%arg10 : memref<!tpu.dma_semaphore, #tpu.memory_space<semaphore_mem>>)
    %add3A_31 = arith.constant 16 : i32
    %add3A_32 = arith.addi %arg1, %add3A_31 : i32
    %mul3A_33 = arith.constant 128 : i32
    %mul3A_34 = arith.muli %add3A_32, %mul3A_33 : i32
    %dma_start3A_35 = arith.constant 1 : i32
    %dma_start3A_36 = arith.constant 0 : i32
    %dma_start3A_37 = arith.constant 0 : i32
    %dma_start3A_38 = tpu.memref_slice %arg7[%dma_start3A_35, %dma_start3A_36, %dma_start3A_37] : memref<3x2x128xi32, #tpu.memory_space<vmem>> -> memref<1x2x128xi32, #tpu.memory_space<vmem>>
    %dma_start3A_39 = tpu.memref_squeeze %dma_start3A_38 : memref<1x2x128xi32, #tpu.memory_space<vmem>> -> memref<2x128xi32, #tpu.memory_space<vmem>>
    %dma_start3A_40 = arith.constant 0 : i32
    %dma_start3A_41 = tpu.memref_slice %arg3[%dma_start3A_40, %mul3A_34] : memref<2x160000xi32, #tpu.memory_space<hbm>> -> memref<2x128xi32, #tpu.memory_space<hbm>>
    %dma_start3A_42 = arith.constant 0 : i32
    %dma_start3A_43 = arith.constant 0 : i32
    %dma_start3A_44 = tpu.memref_slice %arg7[%dma_start3A_35, %dma_start3A_42, %dma_start3A_43] : memref<3x2x128xi32, #tpu.memory_space<vmem>> -> memref<1x2x128xi32, #tpu.memory_space<vmem>>
    %dma_start3A_45 = tpu.memref_squeeze %dma_start3A_44 : memref<1x2x128xi32, #tpu.memory_space<vmem>> -> memref<2x128xi32, #tpu.memory_space<vmem>>
    %dma_start3A_46 = arith.constant 0 : i32
    %dma_start3A_47 = tpu.memref_slice %arg3[%dma_start3A_46, %mul3A_34] : memref<2x160000xi32, #tpu.memory_space<hbm>> -> memref<2x128xi32, #tpu.memory_space<hbm>>
    tpu.enqueue_dma source(%dma_start3A_47 : memref<2x128xi32, #tpu.memory_space<hbm>>) target(%dma_start3A_45 : memref<2x128xi32, #tpu.memory_space<vmem>>) target_semaphore(%arg10 : memref<!tpu.dma_semaphore, #tpu.memory_space<semaphore_mem>>)
    %mul3A_48 = arith.constant 128 : i32
    %mul3A_49 = arith.muli %add3A_32, %mul3A_48 : i32
    %dma_start3A_50 = arith.constant 1 : i32
    %dma_start3A_51 = arith.constant 0 : i32
    %dma_start3A_52 = arith.constant 0 : i32
    %dma_start3A_53 = tpu.memref_slice %arg8[%dma_start3A_50, %dma_start3A_51, %dma_start3A_52] : memref<3x128x128xf32, #tpu.memory_space<vmem>> -> memref<1x128x128xf32, #tpu.memory_space<vmem>>
    %dma_start3A_54 = tpu.memref_squeeze %dma_start3A_53 : memref<1x128x128xf32, #tpu.memory_space<vmem>> -> memref<128x128xf32, #tpu.memory_space<vmem>>
    %dma_start3A_55 = tpu.memref_slice %arg2[%mul3A_49, %mul3A_0] : memref<160000x256xf32, #tpu.memory_space<hbm>> -> memref<128x128xf32, #tpu.memory_space<hbm>>
    %dma_start3A_56 = arith.constant 0 : i32
    %dma_start3A_57 = arith.constant 0 : i32
    %dma_start3A_58 = tpu.memref_slice %arg8[%dma_start3A_50, %dma_start3A_56, %dma_start3A_57] : memref<3x128x128xf32, #tpu.memory_space<vmem>> -> memref<1x128x128xf32, #tpu.memory_space<vmem>>
    %dma_start3A_59 = tpu.memref_squeeze %dma_start3A_58 : memref<1x128x128xf32, #tpu.memory_space<vmem>> -> memref<128x128xf32, #tpu.memory_space<vmem>>
    %dma_start3A_60 = tpu.memref_slice %arg2[%mul3A_49, %mul3A_0] : memref<160000x256xf32, #tpu.memory_space<hbm>> -> memref<128x128xf32, #tpu.memory_space<hbm>>
    tpu.enqueue_dma source(%dma_start3A_60 : memref<128x128xf32, #tpu.memory_space<hbm>>) target(%dma_start3A_59 : memref<128x128xf32, #tpu.memory_space<vmem>>) target_semaphore(%arg10 : memref<!tpu.dma_semaphore, #tpu.memory_space<semaphore_mem>>)
    %add3A_61 = arith.constant 32 : i32
    %add3A_62 = arith.addi %arg1, %add3A_61 : i32
    %mul3A_63 = arith.constant 128 : i32
    %mul3A_64 = arith.muli %add3A_62, %mul3A_63 : i32
    %dma_start3A_65 = arith.constant 2 : i32
    %dma_start3A_66 = arith.constant 0 : i32
    %dma_start3A_67 = arith.constant 0 : i32
    %dma_start3A_68 = tpu.memref_slice %arg7[%dma_start3A_65, %dma_start3A_66, %dma_start3A_67] : memref<3x2x128xi32, #tpu.memory_space<vmem>> -> memref<1x2x128xi32, #tpu.memory_space<vmem>>
    %dma_start3A_69 = tpu.memref_squeeze %dma_start3A_68 : memref<1x2x128xi32, #tpu.memory_space<vmem>> -> memref<2x128xi32, #tpu.memory_space<vmem>>
    %dma_start3A_70 = arith.constant 0 : i32
    %dma_start3A_71 = tpu.memref_slice %arg3[%dma_start3A_70, %mul3A_64] : memref<2x160000xi32, #tpu.memory_space<hbm>> -> memref<2x128xi32, #tpu.memory_space<hbm>>
    %dma_start3A_72 = arith.constant 0 : i32
    %dma_start3A_73 = arith.constant 0 : i32
    %dma_start3A_74 = tpu.memref_slice %arg7[%dma_start3A_65, %dma_start3A_72, %dma_start3A_73] : memref<3x2x128xi32, #tpu.memory_space<vmem>> -> memref<1x2x128xi32, #tpu.memory_space<vmem>>
    %dma_start3A_75 = tpu.memref_squeeze %dma_start3A_74 : memref<1x2x128xi32, #tpu.memory_space<vmem>> -> memref<2x128xi32, #tpu.memory_space<vmem>>
    %dma_start3A_76 = arith.constant 0 : i32
    %dma_start3A_77 = tpu.memref_slice %arg3[%dma_start3A_76, %mul3A_64] : memref<2x160000xi32, #tpu.memory_space<hbm>> -> memref<2x128xi32, #tpu.memory_space<hbm>>
    tpu.enqueue_dma source(%dma_start3A_77 : memref<2x128xi32, #tpu.memory_space<hbm>>) target(%dma_start3A_75 : memref<2x128xi32, #tpu.memory_space<vmem>>) target_semaphore(%arg10 : memref<!tpu.dma_semaphore, #tpu.memory_space<semaphore_mem>>)
    %mul3A_78 = arith.constant 128 : i32
    %mul3A_79 = arith.muli %add3A_62, %mul3A_78 : i32
    %dma_start3A_80 = arith.constant 2 : i32
    %dma_start3A_81 = arith.constant 0 : i32
    %dma_start3A_82 = arith.constant 0 : i32
    %dma_start3A_83 = tpu.memref_slice %arg8[%dma_start3A_80, %dma_start3A_81, %dma_start3A_82] : memref<3x128x128xf32, #tpu.memory_space<vmem>> -> memref<1x128x128xf32, #tpu.memory_space<vmem>>
    %dma_start3A_84 = tpu.memref_squeeze %dma_start3A_83 : memref<1x128x128xf32, #tpu.memory_space<vmem>> -> memref<128x128xf32, #tpu.memory_space<vmem>>
    %dma_start3A_85 = tpu.memref_slice %arg2[%mul3A_79, %mul3A_0] : memref<160000x256xf32, #tpu.memory_space<hbm>> -> memref<128x128xf32, #tpu.memory_space<hbm>>
    %dma_start3A_86 = arith.constant 0 : i32
    %dma_start3A_87 = arith.constant 0 : i32
    %dma_start3A_88 = tpu.memref_slice %arg8[%dma_start3A_80, %dma_start3A_86, %dma_start3A_87] : memref<3x128x128xf32, #tpu.memory_space<vmem>> -> memref<1x128x128xf32, #tpu.memory_space<vmem>>
    %dma_start3A_89 = tpu.memref_squeeze %dma_start3A_88 : memref<1x128x128xf32, #tpu.memory_space<vmem>> -> memref<128x128xf32, #tpu.memory_space<vmem>>
    %dma_start3A_90 = tpu.memref_slice %arg2[%mul3A_79, %mul3A_0] : memref<160000x256xf32, #tpu.memory_space<hbm>> -> memref<128x128xf32, #tpu.memory_space<hbm>>
    tpu.enqueue_dma source(%dma_start3A_90 : memref<128x128xf32, #tpu.memory_space<hbm>>) target(%dma_start3A_89 : memref<128x128xf32, #tpu.memory_space<vmem>>) target_semaphore(%arg10 : memref<!tpu.dma_semaphore, #tpu.memory_space<semaphore_mem>>)
    %mul3A_91 = arith.constant 625 : i32
    %mul3A_92 = arith.muli %arg1, %mul3A_91 : i32
    "tpu.region"() ({
      %run_scoped3A = tpu.sem_alloc : memref<!tpu.dma_semaphore, #tpu.memory_space<semaphore_mem>>
      %dma_start3A_184 = arith.constant 0 : i32
      %dma_start3A_185 = tpu.memref_slice %arg9[%mul3A_92, %dma_start3A_184] : memref<10000x128xf32, #tpu.memory_space<vmem_shared>> -> memref<625x128xf32, #tpu.memory_space<vmem_shared>>
      tpu.enqueue_dma source(%arg4 : memref<625x128xf32, #tpu.memory_space<hbm>>) target(%dma_start3A_185 : memref<625x128xf32, #tpu.memory_space<vmem_shared>>) target_semaphore(%run_scoped3A : memref<!tpu.dma_semaphore, #tpu.memory_space<semaphore_mem>>)
      %dma_wait3A = arith.constant 0 : i32
      %dma_wait3A_186 = tpu.memref_slice %arg9[%mul3A_92, %dma_wait3A] : memref<10000x128xf32, #tpu.memory_space<vmem_shared>> -> memref<625x128xf32, #tpu.memory_space<vmem_shared>>
      tpu.wait_dma2 semaphore(%run_scoped3A : memref<!tpu.dma_semaphore, #tpu.memory_space<semaphore_mem>>) src(%arg4 : memref<625x128xf32, #tpu.memory_space<hbm>>) dst(%dma_wait3A_186 : memref<625x128xf32, #tpu.memory_space<vmem_shared>>)
      tpu.yield
    }) : () -> ()
    %barrier3A = arith.constant 0 : index
    tpu.barrier barrier_id(%barrier3A)
    %scan3A = arith.constant 0 : i32
    %scan3A_93 = arith.constant 27 : i32
    %scan3A_94 = arith.addi %scan3A, %scan3A_93 : i32
    %scan3A_95 = arith.constant 1 : i32
    scf.for %scan3A_184 = %scan3A to %scan3A_94 step %scan3A_95  : i32 {
      %mul3A_185 = arith.constant 3 : i32
      %mul3A_186 = arith.muli %scan3A_184, %mul3A_185 : i32
      %add3A_187 = arith.constant 0 : i32
      %add3A_188 = arith.addi %add3A_187, %mul3A_186 : i32
      %add3A_189 = arith.constant 0 : i32
      %add3A_190 = arith.addi %add3A_188, %add3A_189 : i32
      %lt3A_191 = arith.cmpi slt, %add3A_190, %select_n3A : i32
      %convert_element_type3A_192 = arith.extui %lt3A_191 : i1 to i32
      %cond3A_193 = arith.constant 0 : i32
      %cond3A_194 = arith.cmpi ne, %convert_element_type3A_192, %cond3A_193 : i32
      scf.if %cond3A_194 {
        %dma_wait3A = arith.constant 0 : i32
        %dma_wait3A_207 = arith.constant 0 : i32
        %dma_wait3A_208 = arith.constant 0 : i32
        %dma_wait3A_209 = tpu.memref_slice %arg7[%dma_wait3A, %dma_wait3A_207, %dma_wait3A_208] : memref<3x2x128xi32, #tpu.memory_space<vmem>> -> memref<1x2x128xi32, #tpu.memory_space<vmem>>
        %dma_wait3A_210 = tpu.memref_squeeze %dma_wait3A_209 : memref<1x2x128xi32, #tpu.memory_space<vmem>> -> memref<2x128xi32, #tpu.memory_space<vmem>>
        %dma_wait3A_211 = arith.constant 0 : i32
        %dma_wait3A_212 = arith.constant 0 : i32
        %dma_wait3A_213 = tpu.memref_slice %arg3[%dma_wait3A_211, %dma_wait3A_212] : memref<2x160000xi32, #tpu.memory_space<hbm>> -> memref<2x128xi32, #tpu.memory_space<hbm>>
        %dma_wait3A_214 = arith.constant 0 : i32
        %dma_wait3A_215 = arith.constant 0 : i32
        %dma_wait3A_216 = tpu.memref_slice %arg7[%dma_wait3A, %dma_wait3A_214, %dma_wait3A_215] : memref<3x2x128xi32, #tpu.memory_space<vmem>> -> memref<1x2x128xi32, #tpu.memory_space<vmem>>
        %dma_wait3A_217 = tpu.memref_squeeze %dma_wait3A_216 : memref<1x2x128xi32, #tpu.memory_space<vmem>> -> memref<2x128xi32, #tpu.memory_space<vmem>>
        %dma_wait3A_218 = arith.constant 0 : i32
        %dma_wait3A_219 = arith.constant 0 : i32
        %dma_wait3A_220 = tpu.memref_slice %arg3[%dma_wait3A_218, %dma_wait3A_219] : memref<2x160000xi32, #tpu.memory_space<hbm>> -> memref<2x128xi32, #tpu.memory_space<hbm>>
        tpu.wait_dma2 semaphore(%arg10 : memref<!tpu.dma_semaphore, #tpu.memory_space<semaphore_mem>>) src(%dma_wait3A_220 : memref<2x128xi32, #tpu.memory_space<hbm>>) dst(%dma_wait3A_217 : memref<2x128xi32, #tpu.memory_space<vmem>>)
        %dma_wait3A_221 = arith.constant 0 : i32
        %dma_wait3A_222 = arith.constant 0 : i32
        %dma_wait3A_223 = arith.constant 0 : i32
        %dma_wait3A_224 = tpu.memref_slice %arg8[%dma_wait3A_221, %dma_wait3A_222, %dma_wait3A_223] : memref<3x128x128xf32, #tpu.memory_space<vmem>> -> memref<1x128x128xf32, #tpu.memory_space<vmem>>
        %dma_wait3A_225 = tpu.memref_squeeze %dma_wait3A_224 : memref<1x128x128xf32, #tpu.memory_space<vmem>> -> memref<128x128xf32, #tpu.memory_space<vmem>>
        %dma_wait3A_226 = arith.constant 0 : i32
        %dma_wait3A_227 = tpu.memref_slice %arg2[%dma_wait3A_226, %mul3A_0] : memref<160000x256xf32, #tpu.memory_space<hbm>> -> memref<128x128xf32, #tpu.memory_space<hbm>>
        %dma_wait3A_228 = arith.constant 0 : i32
        %dma_wait3A_229 = arith.constant 0 : i32
        %dma_wait3A_230 = tpu.memref_slice %arg8[%dma_wait3A_221, %dma_wait3A_228, %dma_wait3A_229] : memref<3x128x128xf32, #tpu.memory_space<vmem>> -> memref<1x128x128xf32, #tpu.memory_space<vmem>>
        %dma_wait3A_231 = tpu.memref_squeeze %dma_wait3A_230 : memref<1x128x128xf32, #tpu.memory_space<vmem>> -> memref<128x128xf32, #tpu.memory_space<vmem>>
        %dma_wait3A_232 = arith.constant 0 : i32
        %dma_wait3A_233 = tpu.memref_slice %arg2[%dma_wait3A_232, %mul3A_0] : memref<160000x256xf32, #tpu.memory_space<hbm>> -> memref<128x128xf32, #tpu.memory_space<hbm>>
        tpu.wait_dma2 semaphore(%arg10 : memref<!tpu.dma_semaphore, #tpu.memory_space<semaphore_mem>>) src(%dma_wait3A_233 : memref<128x128xf32, #tpu.memory_space<hbm>>) dst(%dma_wait3A_231 : memref<128x128xf32, #tpu.memory_space<vmem>>)
        %run_scoped3A = arith.constant 0 : i32
        %run_scoped3A_234 = arith.constant 0 : i32
        %run_scoped3A_235 = arith.constant 1 : i32
        "tpu.region"() ({
          %run_scoped3A_242 = tpu.sem_alloc : memref<!tpu.dma_semaphore, #tpu.memory_space<semaphore_mem>>
          %dma_start3A_243 = arith.constant 0 : i32
          %dma_start3A_244 = arith.constant 0 : i32
          %dma_start3A_245 = tpu.memref_slice %arg8[%run_scoped3A, %dma_start3A_243, %dma_start3A_244] : memref<3x128x128xf32, #tpu.memory_space<vmem>> -> memref<1x128x128xf32, #tpu.memory_space<vmem>>
          %dma_start3A_246 = tpu.memref_squeeze %dma_start3A_245 : memref<1x128x128xf32, #tpu.memory_space<vmem>> -> memref<128x128xf32, #tpu.memory_space<vmem>>
          %dma_start3A_247 = arith.constant 0 : i32
          %dma_start3A_248 = tpu.memref_slice %arg7[%run_scoped3A_234, %run_scoped3A_235, %dma_start3A_247] : memref<3x2x128xi32, #tpu.memory_space<vmem>> -> memref<1x1x128xi32, #tpu.memory_space<vmem>>
          %dma_start3A_249 = tpu.memref_squeeze %dma_start3A_248 : memref<1x1x128xi32, #tpu.memory_space<vmem>> -> memref<128xi32, #tpu.memory_space<vmem>>
          %dma_start3A_250 = arith.constant 0 : i32
          %dma_start3A_251 = arith.constant 0 : i32
          %dma_start3A_252 = tpu.memref_slice %arg9[%dma_start3A_250, %dma_start3A_251] : memref<10000x128xf32, #tpu.memory_space<vmem_shared>> -> memref<10000x128xf32, #tpu.memory_space<vmem_shared>>
          tpu.enqueue_indirect_dma source(%dma_start3A_246 : memref<128x128xf32, #tpu.memory_space<vmem>>) target(%dma_start3A_252 : memref<10000x128xf32, #tpu.memory_space<vmem_shared>>) offsets(%dma_start3A_249 : memref<128xi32, #tpu.memory_space<vmem>>) semaphore(%run_scoped3A_242 : memref<!tpu.dma_semaphore, #tpu.memory_space<semaphore_mem>>) {add = true}
          %dma_wait3A_253 = arith.constant 0 : i32
          %dma_wait3A_254 = arith.constant 0 : i32
          %dma_wait3A_255 = tpu.memref_slice %arg8[%run_scoped3A, %dma_wait3A_253, %dma_wait3A_254] : memref<3x128x128xf32, #tpu.memory_space<vmem>> -> memref<1x128x128xf32, #tpu.memory_space<vmem>>
          %dma_wait3A_256 = tpu.memref_squeeze %dma_wait3A_255 : memref<1x128x128xf32, #tpu.memory_space<vmem>> -> memref<128x128xf32, #tpu.memory_space<vmem>>
          %dma_wait3A_257 = arith.constant 0 : i32
          %dma_wait3A_258 = tpu.memref_slice %arg7[%run_scoped3A_234, %run_scoped3A_235, %dma_wait3A_257] : memref<3x2x128xi32, #tpu.memory_space<vmem>> -> memref<1x1x128xi32, #tpu.memory_space<vmem>>
          %dma_wait3A_259 = tpu.memref_squeeze %dma_wait3A_258 : memref<1x1x128xi32, #tpu.memory_space<vmem>> -> memref<128xi32, #tpu.memory_space<vmem>>
          %dma_wait3A_260 = arith.constant 0 : i32
          %dma_wait3A_261 = arith.constant 0 : i32
          %dma_wait3A_262 = tpu.memref_slice %arg9[%dma_wait3A_260, %dma_wait3A_261] : memref<10000x128xf32, #tpu.memory_space<vmem_shared>> -> memref<10000x128xf32, #tpu.memory_space<vmem_shared>>
          tpu.wait_indirect_dma semaphore(%run_scoped3A_242 : memref<!tpu.dma_semaphore, #tpu.memory_space<semaphore_mem>>) src(%dma_wait3A_256 : memref<128x128xf32, #tpu.memory_space<vmem>>) dst(%dma_wait3A_262 : memref<10000x128xf32, #tpu.memory_space<vmem_shared>>)
          tpu.yield
        }) : () -> ()
        %add3A_236 = arith.constant 3 : i32
        %add3A_237 = arith.addi %add3A_190, %add3A_236 : i32
        %lt3A_238 = arith.cmpi slt, %add3A_237, %select_n3A : i32
        %convert_element_type3A_239 = arith.extui %lt3A_238 : i1 to i32
        %cond3A_240 = arith.constant 0 : i32
        %cond3A_241 = arith.cmpi ne, %convert_element_type3A_239, %cond3A_240 : i32
        scf.if %cond3A_241 {
          %add3A_242 = arith.constant 3 : i32
          %add3A_243 = arith.addi %add3A_190, %add3A_242 : i32
          %mul3A_244 = arith.constant 16 : i32
          %mul3A_245 = arith.muli %mul3A_244, %add3A_243 : i32
          %add3A_246 = arith.addi %arg1, %mul3A_245 : i32
          %mul3A_247 = arith.constant 128 : i32
          %mul3A_248 = arith.muli %add3A_246, %mul3A_247 : i32
          %dma_start3A_249 = arith.constant 0 : i32
          %dma_start3A_250 = arith.constant 0 : i32
          %dma_start3A_251 = arith.constant 0 : i32
          %dma_start3A_252 = tpu.memref_slice %arg7[%dma_start3A_249, %dma_start3A_250, %dma_start3A_251] : memref<3x2x128xi32, #tpu.memory_space<vmem>> -> memref<1x2x128xi32, #tpu.memory_space<vmem>>
          %dma_start3A_253 = tpu.memref_squeeze %dma_start3A_252 : memref<1x2x128xi32, #tpu.memory_space<vmem>> -> memref<2x128xi32, #tpu.memory_space<vmem>>
          %dma_start3A_254 = arith.constant 0 : i32
          %dma_start3A_255 = tpu.memref_slice %arg3[%dma_start3A_254, %mul3A_248] : memref<2x160000xi32, #tpu.memory_space<hbm>> -> memref<2x128xi32, #tpu.memory_space<hbm>>
          %dma_start3A_256 = arith.constant 0 : i32
          %dma_start3A_257 = arith.constant 0 : i32
          %dma_start3A_258 = tpu.memref_slice %arg7[%dma_start3A_249, %dma_start3A_256, %dma_start3A_257] : memref<3x2x128xi32, #tpu.memory_space<vmem>> -> memref<1x2x128xi32, #tpu.memory_space<vmem>>
          %dma_start3A_259 = tpu.memref_squeeze %dma_start3A_258 : memref<1x2x128xi32, #tpu.memory_space<vmem>> -> memref<2x128xi32, #tpu.memory_space<vmem>>
          %dma_start3A_260 = arith.constant 0 : i32
          %dma_start3A_261 = tpu.memref_slice %arg3[%dma_start3A_260, %mul3A_248] : memref<2x160000xi32, #tpu.memory_space<hbm>> -> memref<2x128xi32, #tpu.memory_space<hbm>>
          tpu.enqueue_dma source(%dma_start3A_261 : memref<2x128xi32, #tpu.memory_space<hbm>>) target(%dma_start3A_259 : memref<2x128xi32, #tpu.memory_space<vmem>>) target_semaphore(%arg10 : memref<!tpu.dma_semaphore, #tpu.memory_space<semaphore_mem>>)
          %mul3A_262 = arith.constant 128 : i32
          %mul3A_263 = arith.muli %add3A_246, %mul3A_262 : i32
          %dma_start3A_264 = arith.constant 0 : i32
          %dma_start3A_265 = arith.constant 0 : i32
          %dma_start3A_266 = arith.constant 0 : i32
          %dma_start3A_267 = tpu.memref_slice %arg8[%dma_start3A_264, %dma_start3A_265, %dma_start3A_266] : memref<3x128x128xf32, #tpu.memory_space<vmem>> -> memref<1x128x128xf32, #tpu.memory_space<vmem>>
          %dma_start3A_268 = tpu.memref_squeeze %dma_start3A_267 : memref<1x128x128xf32, #tpu.memory_space<vmem>> -> memref<128x128xf32, #tpu.memory_space<vmem>>
          %dma_start3A_269 = tpu.memref_slice %arg2[%mul3A_263, %mul3A_0] : memref<160000x256xf32, #tpu.memory_space<hbm>> -> memref<128x128xf32, #tpu.memory_space<hbm>>
          %dma_start3A_270 = arith.constant 0 : i32
          %dma_start3A_271 = arith.constant 0 : i32
          %dma_start3A_272 = tpu.memref_slice %arg8[%dma_start3A_264, %dma_start3A_270, %dma_start3A_271] : memref<3x128x128xf32, #tpu.memory_space<vmem>> -> memref<1x128x128xf32, #tpu.memory_space<vmem>>
          %dma_start3A_273 = tpu.memref_squeeze %dma_start3A_272 : memref<1x128x128xf32, #tpu.memory_space<vmem>> -> memref<128x128xf32, #tpu.memory_space<vmem>>
          %dma_start3A_274 = tpu.memref_slice %arg2[%mul3A_263, %mul3A_0] : memref<160000x256xf32, #tpu.memory_space<hbm>> -> memref<128x128xf32, #tpu.memory_space<hbm>>
          tpu.enqueue_dma source(%dma_start3A_274 : memref<128x128xf32, #tpu.memory_space<hbm>>) target(%dma_start3A_273 : memref<128x128xf32, #tpu.memory_space<vmem>>) target_semaphore(%arg10 : memref<!tpu.dma_semaphore, #tpu.memory_space<semaphore_mem>>)
        } else {
        }
      } else {
      }
      %add3A_195 = arith.constant 1 : i32
      %add3A_196 = arith.addi %add3A_188, %add3A_195 : i32
      %lt3A_197 = arith.cmpi slt, %add3A_196, %select_n3A : i32
      %convert_element_type3A_198 = arith.extui %lt3A_197 : i1 to i32
      %cond3A_199 = arith.constant 0 : i32
      %cond3A_200 = arith.cmpi ne, %convert_element_type3A_198, %cond3A_199 : i32
      scf.if %cond3A_200 {
        %dma_wait3A = arith.constant 1 : i32
        %dma_wait3A_207 = arith.constant 0 : i32
        %dma_wait3A_208 = arith.constant 0 : i32
        %dma_wait3A_209 = tpu.memref_slice %arg7[%dma_wait3A, %dma_wait3A_207, %dma_wait3A_208] : memref<3x2x128xi32, #tpu.memory_space<vmem>> -> memref<1x2x128xi32, #tpu.memory_space<vmem>>
        %dma_wait3A_210 = tpu.memref_squeeze %dma_wait3A_209 : memref<1x2x128xi32, #tpu.memory_space<vmem>> -> memref<2x128xi32, #tpu.memory_space<vmem>>
        %dma_wait3A_211 = arith.constant 0 : i32
        %dma_wait3A_212 = arith.constant 0 : i32
        %dma_wait3A_213 = tpu.memref_slice %arg3[%dma_wait3A_211, %dma_wait3A_212] : memref<2x160000xi32, #tpu.memory_space<hbm>> -> memref<2x128xi32, #tpu.memory_space<hbm>>
        %dma_wait3A_214 = arith.constant 0 : i32
        %dma_wait3A_215 = arith.constant 0 : i32
        %dma_wait3A_216 = tpu.memref_slice %arg7[%dma_wait3A, %dma_wait3A_214, %dma_wait3A_215] : memref<3x2x128xi32, #tpu.memory_space<vmem>> -> memref<1x2x128xi32, #tpu.memory_space<vmem>>
        %dma_wait3A_217 = tpu.memref_squeeze %dma_wait3A_216 : memref<1x2x128xi32, #tpu.memory_space<vmem>> -> memref<2x128xi32, #tpu.memory_space<vmem>>
        %dma_wait3A_218 = arith.constant 0 : i32
        %dma_wait3A_219 = arith.constant 0 : i32
        %dma_wait3A_220 = tpu.memref_slice %arg3[%dma_wait3A_218, %dma_wait3A_219] : memref<2x160000xi32, #tpu.memory_space<hbm>> -> memref<2x128xi32, #tpu.memory_space<hbm>>
        tpu.wait_dma2 semaphore(%arg10 : memref<!tpu.dma_semaphore, #tpu.memory_space<semaphore_mem>>) src(%dma_wait3A_220 : memref<2x128xi32, #tpu.memory_space<hbm>>) dst(%dma_wait3A_217 : memref<2x128xi32, #tpu.memory_space<vmem>>)
        %dma_wait3A_221 = arith.constant 1 : i32
        %dma_wait3A_222 = arith.constant 0 : i32
        %dma_wait3A_223 = arith.constant 0 : i32
        %dma_wait3A_224 = tpu.memref_slice %arg8[%dma_wait3A_221, %dma_wait3A_222, %dma_wait3A_223] : memref<3x128x128xf32, #tpu.memory_space<vmem>> -> memref<1x128x128xf32, #tpu.memory_space<vmem>>
        %dma_wait3A_225 = tpu.memref_squeeze %dma_wait3A_224 : memref<1x128x128xf32, #tpu.memory_space<vmem>> -> memref<128x128xf32, #tpu.memory_space<vmem>>
        %dma_wait3A_226 = arith.constant 0 : i32
        %dma_wait3A_227 = tpu.memref_slice %arg2[%dma_wait3A_226, %mul3A_0] : memref<160000x256xf32, #tpu.memory_space<hbm>> -> memref<128x128xf32, #tpu.memory_space<hbm>>
        %dma_wait3A_228 = arith.constant 0 : i32
        %dma_wait3A_229 = arith.constant 0 : i32
        %dma_wait3A_230 = tpu.memref_slice %arg8[%dma_wait3A_221, %dma_wait3A_228, %dma_wait3A_229] : memref<3x128x128xf32, #tpu.memory_space<vmem>> -> memref<1x128x128xf32, #tpu.memory_space<vmem>>
        %dma_wait3A_231 = tpu.memref_squeeze %dma_wait3A_230 : memref<1x128x128xf32, #tpu.memory_space<vmem>> -> memref<128x128xf32, #tpu.memory_space<vmem>>
        %dma_wait3A_232 = arith.constant 0 : i32
        %dma_wait3A_233 = tpu.memref_slice %arg2[%dma_wait3A_232, %mul3A_0] : memref<160000x256xf32, #tpu.memory_space<hbm>> -> memref<128x128xf32, #tpu.memory_space<hbm>>
        tpu.wait_dma2 semaphore(%arg10 : memref<!tpu.dma_semaphore, #tpu.memory_space<semaphore_mem>>) src(%dma_wait3A_233 : memref<128x128xf32, #tpu.memory_space<hbm>>) dst(%dma_wait3A_231 : memref<128x128xf32, #tpu.memory_space<vmem>>)
        %run_scoped3A = arith.constant 1 : i32
        %run_scoped3A_234 = arith.constant 1 : i32
        %run_scoped3A_235 = arith.constant 1 : i32
        "tpu.region"() ({
          %run_scoped3A_242 = tpu.sem_alloc : memref<!tpu.dma_semaphore, #tpu.memory_space<semaphore_mem>>
          %dma_start3A_243 = arith.constant 0 : i32
          %dma_start3A_244 = arith.constant 0 : i32
          %dma_start3A_245 = tpu.memref_slice %arg8[%run_scoped3A, %dma_start3A_243, %dma_start3A_244] : memref<3x128x128xf32, #tpu.memory_space<vmem>> -> memref<1x128x128xf32, #tpu.memory_space<vmem>>
          %dma_start3A_246 = tpu.memref_squeeze %dma_start3A_245 : memref<1x128x128xf32, #tpu.memory_space<vmem>> -> memref<128x128xf32, #tpu.memory_space<vmem>>
          %dma_start3A_247 = arith.constant 0 : i32
          %dma_start3A_248 = tpu.memref_slice %arg7[%run_scoped3A_234, %run_scoped3A_235, %dma_start3A_247] : memref<3x2x128xi32, #tpu.memory_space<vmem>> -> memref<1x1x128xi32, #tpu.memory_space<vmem>>
          %dma_start3A_249 = tpu.memref_squeeze %dma_start3A_248 : memref<1x1x128xi32, #tpu.memory_space<vmem>> -> memref<128xi32, #tpu.memory_space<vmem>>
          %dma_start3A_250 = arith.constant 0 : i32
          %dma_start3A_251 = arith.constant 0 : i32
          %dma_start3A_252 = tpu.memref_slice %arg9[%dma_start3A_250, %dma_start3A_251] : memref<10000x128xf32, #tpu.memory_space<vmem_shared>> -> memref<10000x128xf32, #tpu.memory_space<vmem_shared>>
          tpu.enqueue_indirect_dma source(%dma_start3A_246 : memref<128x128xf32, #tpu.memory_space<vmem>>) target(%dma_start3A_252 : memref<10000x128xf32, #tpu.memory_space<vmem_shared>>) offsets(%dma_start3A_249 : memref<128xi32, #tpu.memory_space<vmem>>) semaphore(%run_scoped3A_242 : memref<!tpu.dma_semaphore, #tpu.memory_space<semaphore_mem>>) {add = true}
          %dma_wait3A_253 = arith.constant 0 : i32
          %dma_wait3A_254 = arith.constant 0 : i32
          %dma_wait3A_255 = tpu.memref_slice %arg8[%run_scoped3A, %dma_wait3A_253, %dma_wait3A_254] : memref<3x128x128xf32, #tpu.memory_space<vmem>> -> memref<1x128x128xf32, #tpu.memory_space<vmem>>
          %dma_wait3A_256 = tpu.memref_squeeze %dma_wait3A_255 : memref<1x128x128xf32, #tpu.memory_space<vmem>> -> memref<128x128xf32, #tpu.memory_space<vmem>>
          %dma_wait3A_257 = arith.constant 0 : i32
          %dma_wait3A_258 = tpu.memref_slice %arg7[%run_scoped3A_234, %run_scoped3A_235, %dma_wait3A_257] : memref<3x2x128xi32, #tpu.memory_space<vmem>> -> memref<1x1x128xi32, #tpu.memory_space<vmem>>
          %dma_wait3A_259 = tpu.memref_squeeze %dma_wait3A_258 : memref<1x1x128xi32, #tpu.memory_space<vmem>> -> memref<128xi32, #tpu.memory_space<vmem>>
          %dma_wait3A_260 = arith.constant 0 : i32
          %dma_wait3A_261 = arith.constant 0 : i32
          %dma_wait3A_262 = tpu.memref_slice %arg9[%dma_wait3A_260, %dma_wait3A_261] : memref<10000x128xf32, #tpu.memory_space<vmem_shared>> -> memref<10000x128xf32, #tpu.memory_space<vmem_shared>>
          tpu.wait_indirect_dma semaphore(%run_scoped3A_242 : memref<!tpu.dma_semaphore, #tpu.memory_space<semaphore_mem>>) src(%dma_wait3A_256 : memref<128x128xf32, #tpu.memory_space<vmem>>) dst(%dma_wait3A_262 : memref<10000x128xf32, #tpu.memory_space<vmem_shared>>)
          tpu.yield
        }) : () -> ()
        %add3A_236 = arith.constant 3 : i32
        %add3A_237 = arith.addi %add3A_196, %add3A_236 : i32
        %lt3A_238 = arith.cmpi slt, %add3A_237, %select_n3A : i32
        %convert_element_type3A_239 = arith.extui %lt3A_238 : i1 to i32
        %cond3A_240 = arith.constant 0 : i32
        %cond3A_241 = arith.cmpi ne, %convert_element_type3A_239, %cond3A_240 : i32
        scf.if %cond3A_241 {
          %add3A_242 = arith.constant 3 : i32
          %add3A_243 = arith.addi %add3A_196, %add3A_242 : i32
          %mul3A_244 = arith.constant 16 : i32
          %mul3A_245 = arith.muli %mul3A_244, %add3A_243 : i32
          %add3A_246 = arith.addi %arg1, %mul3A_245 : i32
          %mul3A_247 = arith.constant 128 : i32
          %mul3A_248 = arith.muli %add3A_246, %mul3A_247 : i32
          %dma_start3A_249 = arith.constant 1 : i32
          %dma_start3A_250 = arith.constant 0 : i32
          %dma_start3A_251 = arith.constant 0 : i32
          %dma_start3A_252 = tpu.memref_slice %arg7[%dma_start3A_249, %dma_start3A_250, %dma_start3A_251] : memref<3x2x128xi32, #tpu.memory_space<vmem>> -> memref<1x2x128xi32, #tpu.memory_space<vmem>>
          %dma_start3A_253 = tpu.memref_squeeze %dma_start3A_252 : memref<1x2x128xi32, #tpu.memory_space<vmem>> -> memref<2x128xi32, #tpu.memory_space<vmem>>
          %dma_start3A_254 = arith.constant 0 : i32
          %dma_start3A_255 = tpu.memref_slice %arg3[%dma_start3A_254, %mul3A_248] : memref<2x160000xi32, #tpu.memory_space<hbm>> -> memref<2x128xi32, #tpu.memory_space<hbm>>
          %dma_start3A_256 = arith.constant 0 : i32
          %dma_start3A_257 = arith.constant 0 : i32
          %dma_start3A_258 = tpu.memref_slice %arg7[%dma_start3A_249, %dma_start3A_256, %dma_start3A_257] : memref<3x2x128xi32, #tpu.memory_space<vmem>> -> memref<1x2x128xi32, #tpu.memory_space<vmem>>
          %dma_start3A_259 = tpu.memref_squeeze %dma_start3A_258 : memref<1x2x128xi32, #tpu.memory_space<vmem>> -> memref<2x128xi32, #tpu.memory_space<vmem>>
          %dma_start3A_260 = arith.constant 0 : i32
          %dma_start3A_261 = tpu.memref_slice %arg3[%dma_start3A_260, %mul3A_248] : memref<2x160000xi32, #tpu.memory_space<hbm>> -> memref<2x128xi32, #tpu.memory_space<hbm>>
          tpu.enqueue_dma source(%dma_start3A_261 : memref<2x128xi32, #tpu.memory_space<hbm>>) target(%dma_start3A_259 : memref<2x128xi32, #tpu.memory_space<vmem>>) target_semaphore(%arg10 : memref<!tpu.dma_semaphore, #tpu.memory_space<semaphore_mem>>)
          %mul3A_262 = arith.constant 128 : i32
          %mul3A_263 = arith.muli %add3A_246, %mul3A_262 : i32
          %dma_start3A_264 = arith.constant 1 : i32
          %dma_start3A_265 = arith.constant 0 : i32
          %dma_start3A_266 = arith.constant 0 : i32
          %dma_start3A_267 = tpu.memref_slice %arg8[%dma_start3A_264, %dma_start3A_265, %dma_start3A_266] : memref<3x128x128xf32, #tpu.memory_space<vmem>> -> memref<1x128x128xf32, #tpu.memory_space<vmem>>
          %dma_start3A_268 = tpu.memref_squeeze %dma_start3A_267 : memref<1x128x128xf32, #tpu.memory_space<vmem>> -> memref<128x128xf32, #tpu.memory_space<vmem>>
          %dma_start3A_269 = tpu.memref_slice %arg2[%mul3A_263, %mul3A_0] : memref<160000x256xf32, #tpu.memory_space<hbm>> -> memref<128x128xf32, #tpu.memory_space<hbm>>
          %dma_start3A_270 = arith.constant 0 : i32
          %dma_start3A_271 = arith.constant 0 : i32
          %dma_start3A_272 = tpu.memref_slice %arg8[%dma_start3A_264, %dma_start3A_270, %dma_start3A_271] : memref<3x128x128xf32, #tpu.memory_space<vmem>> -> memref<1x128x128xf32, #tpu.memory_space<vmem>>
          %dma_start3A_273 = tpu.memref_squeeze %dma_start3A_272 : memref<1x128x128xf32, #tpu.memory_space<vmem>> -> memref<128x128xf32, #tpu.memory_space<vmem>>
          %dma_start3A_274 = tpu.memref_slice %arg2[%mul3A_263, %mul3A_0] : memref<160000x256xf32, #tpu.memory_space<hbm>> -> memref<128x128xf32, #tpu.memory_space<hbm>>
          tpu.enqueue_dma source(%dma_start3A_274 : memref<128x128xf32, #tpu.memory_space<hbm>>) target(%dma_start3A_273 : memref<128x128xf32, #tpu.memory_space<vmem>>) target_semaphore(%arg10 : memref<!tpu.dma_semaphore, #tpu.memory_space<semaphore_mem>>)
        } else {
        }
      } else {
      }
      %add3A_201 = arith.constant 2 : i32
      %add3A_202 = arith.addi %add3A_188, %add3A_201 : i32
      %lt3A_203 = arith.cmpi slt, %add3A_202, %select_n3A : i32
      %convert_element_type3A_204 = arith.extui %lt3A_203 : i1 to i32
      %cond3A_205 = arith.constant 0 : i32
      %cond3A_206 = arith.cmpi ne, %convert_element_type3A_204, %cond3A_205 : i32
      scf.if %cond3A_206 {
        %dma_wait3A = arith.constant 2 : i32
        %dma_wait3A_207 = arith.constant 0 : i32
        %dma_wait3A_208 = arith.constant 0 : i32
        %dma_wait3A_209 = tpu.memref_slice %arg7[%dma_wait3A, %dma_wait3A_207, %dma_wait3A_208] : memref<3x2x128xi32, #tpu.memory_space<vmem>> -> memref<1x2x128xi32, #tpu.memory_space<vmem>>
        %dma_wait3A_210 = tpu.memref_squeeze %dma_wait3A_209 : memref<1x2x128xi32, #tpu.memory_space<vmem>> -> memref<2x128xi32, #tpu.memory_space<vmem>>
        %dma_wait3A_211 = arith.constant 0 : i32
        %dma_wait3A_212 = arith.constant 0 : i32
        %dma_wait3A_213 = tpu.memref_slice %arg3[%dma_wait3A_211, %dma_wait3A_212] : memref<2x160000xi32, #tpu.memory_space<hbm>> -> memref<2x128xi32, #tpu.memory_space<hbm>>
        %dma_wait3A_214 = arith.constant 0 : i32
        %dma_wait3A_215 = arith.constant 0 : i32
        %dma_wait3A_216 = tpu.memref_slice %arg7[%dma_wait3A, %dma_wait3A_214, %dma_wait3A_215] : memref<3x2x128xi32, #tpu.memory_space<vmem>> -> memref<1x2x128xi32, #tpu.memory_space<vmem>>
        %dma_wait3A_217 = tpu.memref_squeeze %dma_wait3A_216 : memref<1x2x128xi32, #tpu.memory_space<vmem>> -> memref<2x128xi32, #tpu.memory_space<vmem>>
        %dma_wait3A_218 = arith.constant 0 : i32
        %dma_wait3A_219 = arith.constant 0 : i32
        %dma_wait3A_220 = tpu.memref_slice %arg3[%dma_wait3A_218, %dma_wait3A_219] : memref<2x160000xi32, #tpu.memory_space<hbm>> -> memref<2x128xi32, #tpu.memory_space<hbm>>
        tpu.wait_dma2 semaphore(%arg10 : memref<!tpu.dma_semaphore, #tpu.memory_space<semaphore_mem>>) src(%dma_wait3A_220 : memref<2x128xi32, #tpu.memory_space<hbm>>) dst(%dma_wait3A_217 : memref<2x128xi32, #tpu.memory_space<vmem>>)
        %dma_wait3A_221 = arith.constant 2 : i32
        %dma_wait3A_222 = arith.constant 0 : i32
        %dma_wait3A_223 = arith.constant 0 : i32
        %dma_wait3A_224 = tpu.memref_slice %arg8[%dma_wait3A_221, %dma_wait3A_222, %dma_wait3A_223] : memref<3x128x128xf32, #tpu.memory_space<vmem>> -> memref<1x128x128xf32, #tpu.memory_space<vmem>>
        %dma_wait3A_225 = tpu.memref_squeeze %dma_wait3A_224 : memref<1x128x128xf32, #tpu.memory_space<vmem>> -> memref<128x128xf32, #tpu.memory_space<vmem>>
        %dma_wait3A_226 = arith.constant 0 : i32
        %dma_wait3A_227 = tpu.memref_slice %arg2[%dma_wait3A_226, %mul3A_0] : memref<160000x256xf32, #tpu.memory_space<hbm>> -> memref<128x128xf32, #tpu.memory_space<hbm>>
        %dma_wait3A_228 = arith.constant 0 : i32
        %dma_wait3A_229 = arith.constant 0 : i32
        %dma_wait3A_230 = tpu.memref_slice %arg8[%dma_wait3A_221, %dma_wait3A_228, %dma_wait3A_229] : memref<3x128x128xf32, #tpu.memory_space<vmem>> -> memref<1x128x128xf32, #tpu.memory_space<vmem>>
        %dma_wait3A_231 = tpu.memref_squeeze %dma_wait3A_230 : memref<1x128x128xf32, #tpu.memory_space<vmem>> -> memref<128x128xf32, #tpu.memory_space<vmem>>
        %dma_wait3A_232 = arith.constant 0 : i32
        %dma_wait3A_233 = tpu.memref_slice %arg2[%dma_wait3A_232, %mul3A_0] : memref<160000x256xf32, #tpu.memory_space<hbm>> -> memref<128x128xf32, #tpu.memory_space<hbm>>
        tpu.wait_dma2 semaphore(%arg10 : memref<!tpu.dma_semaphore, #tpu.memory_space<semaphore_mem>>) src(%dma_wait3A_233 : memref<128x128xf32, #tpu.memory_space<hbm>>) dst(%dma_wait3A_231 : memref<128x128xf32, #tpu.memory_space<vmem>>)
        %run_scoped3A = arith.constant 2 : i32
        %run_scoped3A_234 = arith.constant 2 : i32
        %run_scoped3A_235 = arith.constant 1 : i32
        "tpu.region"() ({
          %run_scoped3A_242 = tpu.sem_alloc : memref<!tpu.dma_semaphore, #tpu.memory_space<semaphore_mem>>
          %dma_start3A_243 = arith.constant 0 : i32
          %dma_start3A_244 = arith.constant 0 : i32
          %dma_start3A_245 = tpu.memref_slice %arg8[%run_scoped3A, %dma_start3A_243, %dma_start3A_244] : memref<3x128x128xf32, #tpu.memory_space<vmem>> -> memref<1x128x128xf32, #tpu.memory_space<vmem>>
          %dma_start3A_246 = tpu.memref_squeeze %dma_start3A_245 : memref<1x128x128xf32, #tpu.memory_space<vmem>> -> memref<128x128xf32, #tpu.memory_space<vmem>>
          %dma_start3A_247 = arith.constant 0 : i32
          %dma_start3A_248 = tpu.memref_slice %arg7[%run_scoped3A_234, %run_scoped3A_235, %dma_start3A_247] : memref<3x2x128xi32, #tpu.memory_space<vmem>> -> memref<1x1x128xi32, #tpu.memory_space<vmem>>
          %dma_start3A_249 = tpu.memref_squeeze %dma_start3A_248 : memref<1x1x128xi32, #tpu.memory_space<vmem>> -> memref<128xi32, #tpu.memory_space<vmem>>
          %dma_start3A_250 = arith.constant 0 : i32
          %dma_start3A_251 = arith.constant 0 : i32
          %dma_start3A_252 = tpu.memref_slice %arg9[%dma_start3A_250, %dma_start3A_251] : memref<10000x128xf32, #tpu.memory_space<vmem_shared>> -> memref<10000x128xf32, #tpu.memory_space<vmem_shared>>
          tpu.enqueue_indirect_dma source(%dma_start3A_246 : memref<128x128xf32, #tpu.memory_space<vmem>>) target(%dma_start3A_252 : memref<10000x128xf32, #tpu.memory_space<vmem_shared>>) offsets(%dma_start3A_249 : memref<128xi32, #tpu.memory_space<vmem>>) semaphore(%run_scoped3A_242 : memref<!tpu.dma_semaphore, #tpu.memory_space<semaphore_mem>>) {add = true}
          %dma_wait3A_253 = arith.constant 0 : i32
          %dma_wait3A_254 = arith.constant 0 : i32
          %dma_wait3A_255 = tpu.memref_slice %arg8[%run_scoped3A, %dma_wait3A_253, %dma_wait3A_254] : memref<3x128x128xf32, #tpu.memory_space<vmem>> -> memref<1x128x128xf32, #tpu.memory_space<vmem>>
          %dma_wait3A_256 = tpu.memref_squeeze %dma_wait3A_255 : memref<1x128x128xf32, #tpu.memory_space<vmem>> -> memref<128x128xf32, #tpu.memory_space<vmem>>
          %dma_wait3A_257 = arith.constant 0 : i32
          %dma_wait3A_258 = tpu.memref_slice %arg7[%run_scoped3A_234, %run_scoped3A_235, %dma_wait3A_257] : memref<3x2x128xi32, #tpu.memory_space<vmem>> -> memref<1x1x128xi32, #tpu.memory_space<vmem>>
          %dma_wait3A_259 = tpu.memref_squeeze %dma_wait3A_258 : memref<1x1x128xi32, #tpu.memory_space<vmem>> -> memref<128xi32, #tpu.memory_space<vmem>>
          %dma_wait3A_260 = arith.constant 0 : i32
          %dma_wait3A_261 = arith.constant 0 : i32
          %dma_wait3A_262 = tpu.memref_slice %arg9[%dma_wait3A_260, %dma_wait3A_261] : memref<10000x128xf32, #tpu.memory_space<vmem_shared>> -> memref<10000x128xf32, #tpu.memory_space<vmem_shared>>
          tpu.wait_indirect_dma semaphore(%run_scoped3A_242 : memref<!tpu.dma_semaphore, #tpu.memory_space<semaphore_mem>>) src(%dma_wait3A_256 : memref<128x128xf32, #tpu.memory_space<vmem>>) dst(%dma_wait3A_262 : memref<10000x128xf32, #tpu.memory_space<vmem_shared>>)
          tpu.yield
        }) : () -> ()
        %add3A_236 = arith.constant 3 : i32
        %add3A_237 = arith.addi %add3A_202, %add3A_236 : i32
        %lt3A_238 = arith.cmpi slt, %add3A_237, %select_n3A : i32
        %convert_element_type3A_239 = arith.extui %lt3A_238 : i1 to i32
        %cond3A_240 = arith.constant 0 : i32
        %cond3A_241 = arith.cmpi ne, %convert_element_type3A_239, %cond3A_240 : i32
        scf.if %cond3A_241 {
          %add3A_242 = arith.constant 3 : i32
          %add3A_243 = arith.addi %add3A_202, %add3A_242 : i32
          %mul3A_244 = arith.constant 16 : i32
          %mul3A_245 = arith.muli %mul3A_244, %add3A_243 : i32
          %add3A_246 = arith.addi %arg1, %mul3A_245 : i32
          %mul3A_247 = arith.constant 128 : i32
          %mul3A_248 = arith.muli %add3A_246, %mul3A_247 : i32
          %dma_start3A_249 = arith.constant 2 : i32
          %dma_start3A_250 = arith.constant 0 : i32
          %dma_start3A_251 = arith.constant 0 : i32
          %dma_start3A_252 = tpu.memref_slice %arg7[%dma_start3A_249, %dma_start3A_250, %dma_start3A_251] : memref<3x2x128xi32, #tpu.memory_space<vmem>> -> memref<1x2x128xi32, #tpu.memory_space<vmem>>
          %dma_start3A_253 = tpu.memref_squeeze %dma_start3A_252 : memref<1x2x128xi32, #tpu.memory_space<vmem>> -> memref<2x128xi32, #tpu.memory_space<vmem>>
          %dma_start3A_254 = arith.constant 0 : i32
          %dma_start3A_255 = tpu.memref_slice %arg3[%dma_start3A_254, %mul3A_248] : memref<2x160000xi32, #tpu.memory_space<hbm>> -> memref<2x128xi32, #tpu.memory_space<hbm>>
          %dma_start3A_256 = arith.constant 0 : i32
          %dma_start3A_257 = arith.constant 0 : i32
          %dma_start3A_258 = tpu.memref_slice %arg7[%dma_start3A_249, %dma_start3A_256, %dma_start3A_257] : memref<3x2x128xi32, #tpu.memory_space<vmem>> -> memref<1x2x128xi32, #tpu.memory_space<vmem>>
          %dma_start3A_259 = tpu.memref_squeeze %dma_start3A_258 : memref<1x2x128xi32, #tpu.memory_space<vmem>> -> memref<2x128xi32, #tpu.memory_space<vmem>>
          %dma_start3A_260 = arith.constant 0 : i32
          %dma_start3A_261 = tpu.memref_slice %arg3[%dma_start3A_260, %mul3A_248] : memref<2x160000xi32, #tpu.memory_space<hbm>> -> memref<2x128xi32, #tpu.memory_space<hbm>>
          tpu.enqueue_dma source(%dma_start3A_261 : memref<2x128xi32, #tpu.memory_space<hbm>>) target(%dma_start3A_259 : memref<2x128xi32, #tpu.memory_space<vmem>>) target_semaphore(%arg10 : memref<!tpu.dma_semaphore, #tpu.memory_space<semaphore_mem>>)
          %mul3A_262 = arith.constant 128 : i32
          %mul3A_263 = arith.muli %add3A_246, %mul3A_262 : i32
          %dma_start3A_264 = arith.constant 2 : i32
          %dma_start3A_265 = arith.constant 0 : i32
          %dma_start3A_266 = arith.constant 0 : i32
          %dma_start3A_267 = tpu.memref_slice %arg8[%dma_start3A_264, %dma_start3A_265, %dma_start3A_266] : memref<3x128x128xf32, #tpu.memory_space<vmem>> -> memref<1x128x128xf32, #tpu.memory_space<vmem>>
          %dma_start3A_268 = tpu.memref_squeeze %dma_start3A_267 : memref<1x128x128xf32, #tpu.memory_space<vmem>> -> memref<128x128xf32, #tpu.memory_space<vmem>>
          %dma_start3A_269 = tpu.memref_slice %arg2[%mul3A_263, %mul3A_0] : memref<160000x256xf32, #tpu.memory_space<hbm>> -> memref<128x128xf32, #tpu.memory_space<hbm>>
          %dma_start3A_270 = arith.constant 0 : i32
          %dma_start3A_271 = arith.constant 0 : i32
          %dma_start3A_272 = tpu.memref_slice %arg8[%dma_start3A_264, %dma_start3A_270, %dma_start3A_271] : memref<3x128x128xf32, #tpu.memory_space<vmem>> -> memref<1x128x128xf32, #tpu.memory_space<vmem>>
          %dma_start3A_273 = tpu.memref_squeeze %dma_start3A_272 : memref<1x128x128xf32, #tpu.memory_space<vmem>> -> memref<128x128xf32, #tpu.memory_space<vmem>>
          %dma_start3A_274 = tpu.memref_slice %arg2[%mul3A_263, %mul3A_0] : memref<160000x256xf32, #tpu.memory_space<hbm>> -> memref<128x128xf32, #tpu.memory_space<hbm>>
          tpu.enqueue_dma source(%dma_start3A_274 : memref<128x128xf32, #tpu.memory_space<hbm>>) target(%dma_start3A_273 : memref<128x128xf32, #tpu.memory_space<vmem>>) target_semaphore(%arg10 : memref<!tpu.dma_semaphore, #tpu.memory_space<semaphore_mem>>)
        } else {
        }
      } else {
      }
    }
    %scan3A_96 = arith.constant 27 : i32
    %barrier3A_97 = arith.constant 0 : index
    tpu.barrier barrier_id(%barrier3A_97)
    %mul3A_98 = arith.constant 625 : i32
    %mul3A_99 = arith.muli %arg1, %mul3A_98 : i32
    %jit3A_100 = arith.constant 8 : i32
    %div3A = arith.divsi %mul3A_99, %jit3A_100 : i32
    %sign3A = arith.constant 0 : i32
    %sign3A_101 = arith.cmpi sgt, %mul3A_99, %sign3A : i32
    %sign3A_102 = arith.extui %sign3A_101 : i1 to i32
    %sign3A_103 = arith.constant 0 : i32
    %sign3A_104 = arith.cmpi slt, %mul3A_99, %sign3A_103 : i32
    %sign3A_105 = arith.extui %sign3A_104 : i1 to i32
    %sign3A_106 = arith.subi %sign3A_102, %sign3A_105 : i32
    %sign3A_107 = arith.constant 0 : i32
    %sign3A_108 = arith.cmpi sgt, %jit3A_100, %sign3A_107 : i32
    %sign3A_109 = arith.extui %sign3A_108 : i1 to i32
    %sign3A_110 = arith.constant 0 : i32
    %sign3A_111 = arith.cmpi slt, %jit3A_100, %sign3A_110 : i32
    %sign3A_112 = arith.extui %sign3A_111 : i1 to i32
    %sign3A_113 = arith.subi %sign3A_109, %sign3A_112 : i32
    %ne3A = arith.cmpi ne, %sign3A_106, %sign3A_113 : i32
    %rem3A = arith.remsi %mul3A_99, %jit3A_100 : i32
    %ne3A_114 = arith.constant 0 : i32
    %ne3A_115 = arith.cmpi ne, %rem3A, %ne3A_114 : i32
    %and3A = arith.andi %ne3A, %ne3A_115 : i1
    %sub3A = arith.constant 1 : i32
    %sub3A_116 = arith.subi %div3A, %sub3A : i32
    %select_n3A_117 = arith.select %and3A, %sub3A_116, %div3A : i32
    %mul3A_118 = arith.constant 8 : i32
    %mul3A_119 = arith.muli %select_n3A_117, %mul3A_118 : i32
    %eq3A = arith.constant 15 : i32
    %eq3A_120 = arith.cmpi eq, %arg1, %eq3A : i32
    %add3A_121 = arith.constant 1 : i32
    %add3A_122 = arith.addi %arg1, %add3A_121 : i32
    %mul3A_123 = arith.constant 625 : i32
    %mul3A_124 = arith.muli %add3A_122, %mul3A_123 : i32
    %jit3A_125 = arith.constant 8 : i32
    %div3A_126 = arith.divsi %mul3A_124, %jit3A_125 : i32
    %sign3A_127 = arith.constant 0 : i32
    %sign3A_128 = arith.cmpi sgt, %mul3A_124, %sign3A_127 : i32
    %sign3A_129 = arith.extui %sign3A_128 : i1 to i32
    %sign3A_130 = arith.constant 0 : i32
    %sign3A_131 = arith.cmpi slt, %mul3A_124, %sign3A_130 : i32
    %sign3A_132 = arith.extui %sign3A_131 : i1 to i32
    %sign3A_133 = arith.subi %sign3A_129, %sign3A_132 : i32
    %sign3A_134 = arith.constant 0 : i32
    %sign3A_135 = arith.cmpi sgt, %jit3A_125, %sign3A_134 : i32
    %sign3A_136 = arith.extui %sign3A_135 : i1 to i32
    %sign3A_137 = arith.constant 0 : i32
    %sign3A_138 = arith.cmpi slt, %jit3A_125, %sign3A_137 : i32
    %sign3A_139 = arith.extui %sign3A_138 : i1 to i32
    %sign3A_140 = arith.subi %sign3A_136, %sign3A_139 : i32
    %ne3A_141 = arith.cmpi ne, %sign3A_133, %sign3A_140 : i32
    %rem3A_142 = arith.remsi %mul3A_124, %jit3A_125 : i32
    %ne3A_143 = arith.constant 0 : i32
    %ne3A_144 = arith.cmpi ne, %rem3A_142, %ne3A_143 : i32
    %and3A_145 = arith.andi %ne3A_141, %ne3A_144 : i1
    %sub3A_146 = arith.constant 1 : i32
    %sub3A_147 = arith.subi %div3A_126, %sub3A_146 : i32
    %select_n3A_148 = arith.select %and3A_145, %sub3A_147, %div3A_126 : i32
    %mul3A_149 = arith.constant 8 : i32
    %mul3A_150 = arith.muli %select_n3A_148, %mul3A_149 : i32
    %jit3A_151 = arith.constant 10000 : i32
    %select_n3A_152 = arith.select %eq3A_120, %jit3A_151, %mul3A_150 : i32
    %sub3A_153 = arith.subi %select_n3A_152, %mul3A_119 : i32
    %eq3A_154 = arith.constant 624 : i32
    %eq3A_155 = arith.cmpi eq, %sub3A_153, %eq3A_154 : i32
    %eq3A_156 = arith.constant 0 : i32
    %eq3A_157 = arith.cmpi eq, %arg0, %eq3A_156 : i32
    %and3A_158 = arith.andi %eq3A_155, %eq3A_157 : i1
    %convert_element_type3A = arith.extui %and3A_158 : i1 to i32
    %cond3A = arith.constant 0 : i32
    %cond3A_159 = arith.cmpi ne, %convert_element_type3A, %cond3A : i32
    scf.if %cond3A_159 {
      "tpu.region"() ({
        %run_scoped3A = tpu.sem_alloc : memref<!tpu.dma_semaphore, #tpu.memory_space<semaphore_mem>>
        %dma_start3A_184 = arith.constant 0 : i32
        %dma_start3A_185 = tpu.memref_slice %arg5[%mul3A_119, %dma_start3A_184] : memref<10000x128xf32, #tpu.memory_space<hbm>> -> memref<624x128xf32, #tpu.memory_space<hbm>>
        %dma_start3A_186 = arith.constant 0 : i32
        %dma_start3A_187 = tpu.memref_slice %arg9[%mul3A_119, %dma_start3A_186] : memref<10000x128xf32, #tpu.memory_space<vmem_shared>> -> memref<624x128xf32, #tpu.memory_space<vmem_shared>>
        tpu.enqueue_dma source(%dma_start3A_187 : memref<624x128xf32, #tpu.memory_space<vmem_shared>>) target(%dma_start3A_185 : memref<624x128xf32, #tpu.memory_space<hbm>>) target_semaphore(%run_scoped3A : memref<!tpu.dma_semaphore, #tpu.memory_space<semaphore_mem>>)
        %dma_wait3A = arith.constant 0 : i32
        %dma_wait3A_188 = tpu.memref_slice %arg5[%mul3A_119, %dma_wait3A] : memref<10000x128xf32, #tpu.memory_space<hbm>> -> memref<624x128xf32, #tpu.memory_space<hbm>>
        %dma_wait3A_189 = arith.constant 0 : i32
        %dma_wait3A_190 = tpu.memref_slice %arg9[%mul3A_119, %dma_wait3A_189] : memref<10000x128xf32, #tpu.memory_space<vmem_shared>> -> memref<624x128xf32, #tpu.memory_space<vmem_shared>>
        tpu.wait_dma2 semaphore(%run_scoped3A : memref<!tpu.dma_semaphore, #tpu.memory_space<semaphore_mem>>) src(%dma_wait3A_190 : memref<624x128xf32, #tpu.memory_space<vmem_shared>>) dst(%dma_wait3A_188 : memref<624x128xf32, #tpu.memory_space<hbm>>)
        tpu.yield
      }) : () -> ()
    } else {
    }
    %eq3A_160 = arith.constant 624 : i32
    %eq3A_161 = arith.cmpi eq, %sub3A_153, %eq3A_160 : i32
    %eq3A_162 = arith.constant 1 : i32
    %eq3A_163 = arith.cmpi eq, %arg0, %eq3A_162 : i32
    %and3A_164 = arith.andi %eq3A_161, %eq3A_163 : i1
    %convert_element_type3A_165 = arith.extui %and3A_164 : i1 to i32
    %cond3A_166 = arith.constant 0 : i32
    %cond3A_167 = arith.cmpi ne, %convert_element_type3A_165, %cond3A_166 : i32
    scf.if %cond3A_167 {
      "tpu.region"() ({
        %run_scoped3A = tpu.sem_alloc : memref<!tpu.dma_semaphore, #tpu.memory_space<semaphore_mem>>
        %dma_start3A_184 = arith.constant 0 : i32
        %dma_start3A_185 = tpu.memref_slice %arg6[%mul3A_119, %dma_start3A_184] : memref<10000x128xf32, #tpu.memory_space<hbm>> -> memref<624x128xf32, #tpu.memory_space<hbm>>
        %dma_start3A_186 = arith.constant 0 : i32
        %dma_start3A_187 = tpu.memref_slice %arg9[%mul3A_119, %dma_start3A_186] : memref<10000x128xf32, #tpu.memory_space<vmem_shared>> -> memref<624x128xf32, #tpu.memory_space<vmem_shared>>
        tpu.enqueue_dma source(%dma_start3A_187 : memref<624x128xf32, #tpu.memory_space<vmem_shared>>) target(%dma_start3A_185 : memref<624x128xf32, #tpu.memory_space<hbm>>) target_semaphore(%run_scoped3A : memref<!tpu.dma_semaphore, #tpu.memory_space<semaphore_mem>>)
        %dma_wait3A = arith.constant 0 : i32
        %dma_wait3A_188 = tpu.memref_slice %arg6[%mul3A_119, %dma_wait3A] : memref<10000x128xf32, #tpu.memory_space<hbm>> -> memref<624x128xf32, #tpu.memory_space<hbm>>
        %dma_wait3A_189 = arith.constant 0 : i32
        %dma_wait3A_190 = tpu.memref_slice %arg9[%mul3A_119, %dma_wait3A_189] : memref<10000x128xf32, #tpu.memory_space<vmem_shared>> -> memref<624x128xf32, #tpu.memory_space<vmem_shared>>
        tpu.wait_dma2 semaphore(%run_scoped3A : memref<!tpu.dma_semaphore, #tpu.memory_space<semaphore_mem>>) src(%dma_wait3A_190 : memref<624x128xf32, #tpu.memory_space<vmem_shared>>) dst(%dma_wait3A_188 : memref<624x128xf32, #tpu.memory_space<hbm>>)
        tpu.yield
      }) : () -> ()
    } else {
    }
    %eq3A_168 = arith.constant 632 : i32
    %eq3A_169 = arith.cmpi eq, %sub3A_153, %eq3A_168 : i32
    %eq3A_170 = arith.constant 0 : i32
    %eq3A_171 = arith.cmpi eq, %arg0, %eq3A_170 : i32
    %and3A_172 = arith.andi %eq3A_169, %eq3A_171 : i1
    %convert_element_type3A_173 = arith.extui %and3A_172 : i1 to i32
    %cond3A_174 = arith.constant 0 : i32
    %cond3A_175 = arith.cmpi ne, %convert_element_type3A_173, %cond3A_174 : i32
    scf.if %cond3A_175 {
      "tpu.region"() ({
        %run_scoped3A = tpu.sem_alloc : memref<!tpu.dma_semaphore, #tpu.memory_space<semaphore_mem>>
        %dma_start3A_184 = arith.constant 0 : i32
        %dma_start3A_185 = tpu.memref_slice %arg5[%mul3A_119, %dma_start3A_184] : memref<10000x128xf32, #tpu.memory_space<hbm>> -> memref<632x128xf32, #tpu.memory_space<hbm>>
        %dma_start3A_186 = arith.constant 0 : i32
        %dma_start3A_187 = tpu.memref_slice %arg9[%mul3A_119, %dma_start3A_186] : memref<10000x128xf32, #tpu.memory_space<vmem_shared>> -> memref<632x128xf32, #tpu.memory_space<vmem_shared>>
        tpu.enqueue_dma source(%dma_start3A_187 : memref<632x128xf32, #tpu.memory_space<vmem_shared>>) target(%dma_start3A_185 : memref<632x128xf32, #tpu.memory_space<hbm>>) target_semaphore(%run_scoped3A : memref<!tpu.dma_semaphore, #tpu.memory_space<semaphore_mem>>)
        %dma_wait3A = arith.constant 0 : i32
        %dma_wait3A_188 = tpu.memref_slice %arg5[%mul3A_119, %dma_wait3A] : memref<10000x128xf32, #tpu.memory_space<hbm>> -> memref<632x128xf32, #tpu.memory_space<hbm>>
        %dma_wait3A_189 = arith.constant 0 : i32
        %dma_wait3A_190 = tpu.memref_slice %arg9[%mul3A_119, %dma_wait3A_189] : memref<10000x128xf32, #tpu.memory_space<vmem_shared>> -> memref<632x128xf32, #tpu.memory_space<vmem_shared>>
        tpu.wait_dma2 semaphore(%run_scoped3A : memref<!tpu.dma_semaphore, #tpu.memory_space<semaphore_mem>>) src(%dma_wait3A_190 : memref<632x128xf32, #tpu.memory_space<vmem_shared>>) dst(%dma_wait3A_188 : memref<632x128xf32, #tpu.memory_space<hbm>>)
        tpu.yield
      }) : () -> ()
    } else {
    }
    %eq3A_176 = arith.constant 632 : i32
    %eq3A_177 = arith.cmpi eq, %sub3A_153, %eq3A_176 : i32
    %eq3A_178 = arith.constant 1 : i32
    %eq3A_179 = arith.cmpi eq, %arg0, %eq3A_178 : i32
    %and3A_180 = arith.andi %eq3A_177, %eq3A_179 : i1
    %convert_element_type3A_181 = arith.extui %and3A_180 : i1 to i32
    %cond3A_182 = arith.constant 0 : i32
    %cond3A_183 = arith.cmpi ne, %convert_element_type3A_181, %cond3A_182 : i32
    scf.if %cond3A_183 {
      "tpu.region"() ({
        %run_scoped3A = tpu.sem_alloc : memref<!tpu.dma_semaphore, #tpu.memory_space<semaphore_mem>>
        %dma_start3A_184 = arith.constant 0 : i32
        %dma_start3A_185 = tpu.memref_slice %arg6[%mul3A_119, %dma_start3A_184] : memref<10000x128xf32, #tpu.memory_space<hbm>> -> memref<632x128xf32, #tpu.memory_space<hbm>>
        %dma_start3A_186 = arith.constant 0 : i32
        %dma_start3A_187 = tpu.memref_slice %arg9[%mul3A_119, %dma_start3A_186] : memref<10000x128xf32, #tpu.memory_space<vmem_shared>> -> memref<632x128xf32, #tpu.memory_space<vmem_shared>>
        tpu.enqueue_dma source(%dma_start3A_187 : memref<632x128xf32, #tpu.memory_space<vmem_shared>>) target(%dma_start3A_185 : memref<632x128xf32, #tpu.memory_space<hbm>>) target_semaphore(%run_scoped3A : memref<!tpu.dma_semaphore, #tpu.memory_space<semaphore_mem>>)
        %dma_wait3A = arith.constant 0 : i32
        %dma_wait3A_188 = tpu.memref_slice %arg6[%mul3A_119, %dma_wait3A] : memref<10000x128xf32, #tpu.memory_space<hbm>> -> memref<632x128xf32, #tpu.memory_space<hbm>>
        %dma_wait3A_189 = arith.constant 0 : i32
        %dma_wait3A_190 = tpu.memref_slice %arg9[%mul3A_119, %dma_wait3A_189] : memref<10000x128xf32, #tpu.memory_space<vmem_shared>> -> memref<632x128xf32, #tpu.memory_space<vmem_shared>>
        tpu.wait_dma2 semaphore(%run_scoped3A : memref<!tpu.dma_semaphore, #tpu.memory_space<semaphore_mem>>) src(%dma_wait3A_190 : memref<632x128xf32, #tpu.memory_space<vmem_shared>>) dst(%dma_wait3A_188 : memref<632x128xf32, #tpu.memory_space<hbm>>)
        tpu.yield
      }) : () -> ()
    } else {
    }
    return
  }
}

module attributes {stable_mosaic.version = 14 : i64} {
  func.func @body(%arg0: i32, %arg1: memref<2000x256xf32, #tpu.memory_space<vmem>>, %arg2: memref<512x256xf32, #tpu.memory_space<vmem>>, %arg3: memref<1x256xf32, #tpu.memory_space<vmem>>, %arg4: memref<2000x256xbf16, #tpu.memory_space<vmem>>) attributes {dimension_semantics = [#tpu.dimension_semantics<arbitrary>], iteration_bounds = array<i64: 5>, scalar_prefetch = 0 : i64, scratch_operands = 0 : i64, tpu.core_type = #tpu.core_type<tc>, window_params = [{transform_indices = @transform_0, window_bounds = array<i64: 2000, 256>}, {pipeline_mode = #tpu.pipeline_mode<synchronous>, transform_indices = @transform_1, window_bounds = array<i64: 512, 256>}, {pipeline_mode = #tpu.pipeline_mode<synchronous>, transform_indices = @transform_2, window_bounds = array<i64: 1, 256>}, {transform_indices = @transform_3, window_bounds = array<i64: 2000, 256>}]} {
    %get3A = arith.constant 0 : index
    %get3A_0 = arith.constant 0 : index
    %get3A_1 = vector.load %arg1[%get3A, %get3A_0] : memref<2000x256xf32, #tpu.memory_space<vmem>>, vector<2000x256xf32>
    %get3A_2 = arith.constant 0 : index
    %get3A_3 = arith.constant 0 : index
    %get3A_4 = vector.load %arg2[%get3A_2, %get3A_3] : memref<512x256xf32, #tpu.memory_space<vmem>>, vector<256x256xf32>
    %dot_general3A = arith.constant dense<0.000000e+00> : vector<2000x256xf32>
    %dot_general3A_5 = tpu.matmul %get3A_1, %get3A_4, %dot_general3A {dimension_numbers = #tpu.dot_dimension_numbers<[1], [0], [0], [1], [0, 0, 1, 1], [], []>, transpose_lhs_hint = false} : vector<2000x256xf32>, vector<256x256xf32>, vector<2000x256xf32> -> vector<2000x256xf32>
    %get3A_6 = arith.constant 0 : index
    %get3A_7 = arith.constant 0 : index
    %get3A_8 = vector.load %arg3[%get3A_6, %get3A_7] : memref<1x256xf32, #tpu.memory_space<vmem>>, vector<1x256xf32>
    %add3A = vector.broadcast %get3A_8 : vector<1x256xf32> to vector<2000x256xf32>
    %add3A_9 = arith.addf %dot_general3A_5, %add3A : vector<2000x256xf32>
    %convert_element_type3A = arith.truncf %add3A_9 : vector<2000x256xf32> to vector<2000x256xbf16>
    %swap3A = arith.constant 0 : index
    %swap3A_10 = arith.constant 0 : index
    %swap3A_11 = vector.load %arg4[%swap3A, %swap3A_10] : memref<2000x256xbf16, #tpu.memory_space<vmem>>, vector<2000x256xbf16>
    tpu.vector_store %arg4[%swap3A, %swap3A_10], %convert_element_type3A {strides = array<i32>} : memref<2000x256xbf16, #tpu.memory_space<vmem>>, vector<2000x256xbf16>,
    return
  }
  func.func @transform_0(%arg0: i32) -> (i32, i32) {
    %c0_i32 = arith.constant 0 : i32
    %c0_i32_0 = arith.constant 0 : i32
    return %arg0, %c0_i32 : i32, i32
  }
  func.func @transform_1(%arg0: i32) -> (i32, i32) {
    %c0_i32 = arith.constant 0 : i32
    %c0_i32_0 = arith.constant 0 : i32
    %c0_i32_1 = arith.constant 0 : i32
    return %c0_i32, %c0_i32_0 : i32, i32
  }
  func.func @transform_2(%arg0: i32) -> (i32, i32) {
    %c0_i32 = arith.constant 0 : i32
    %c0_i32_0 = arith.constant 0 : i32
    %c0_i32_1 = arith.constant 0 : i32
    return %c0_i32, %c0_i32_0 : i32, i32
  }
  func.func @transform_3(%arg0: i32) -> (i32, i32) {
    %c0_i32 = arith.constant 0 : i32
    %c0_i32_0 = arith.constant 0 : i32
    return %arg0, %c0_i32 : i32, i32
  }
}

module attributes {stable_mosaic.version = 14 : i64} {
  func.func @body(%arg0: i32, %arg1: memref<2000x256xbf16, #tpu.memory_space<vmem>>, %arg2: memref<2000x128xf32, #tpu.memory_space<vmem>>, %arg3: memref<2000x128xf32, #tpu.memory_space<vmem>>, %arg4: memref<512x256xf32, #tpu.memory_space<vmem>>, %arg5: memref<256x256xf32, #tpu.memory_space<vmem>>, %arg6: memref<1x256xf32, #tpu.memory_space<vmem>>, %arg7: memref<2000x256xf32, #tpu.memory_space<vmem>>) attributes {dimension_semantics = [#tpu.dimension_semantics<arbitrary>], iteration_bounds = array<i64: 5>, scalar_prefetch = 0 : i64, scratch_operands = 0 : i64, tpu.core_type = #tpu.core_type<tc>, window_params = [{transform_indices = @transform_0, window_bounds = array<i64: 2000, 256>}, {transform_indices = @transform_1, window_bounds = array<i64: 2000, 128>}, {transform_indices = @transform_2, window_bounds = array<i64: 2000, 128>}, {pipeline_mode = #tpu.pipeline_mode<synchronous>, transform_indices = @transform_3, window_bounds = array<i64: 512, 256>}, {pipeline_mode = #tpu.pipeline_mode<synchronous>, transform_indices = @transform_4, window_bounds = array<i64: 256, 256>}, {pipeline_mode = #tpu.pipeline_mode<synchronous>, transform_indices = @transform_5, window_bounds = array<i64: 1, 256>}, {transform_indices = @transform_6, window_bounds = array<i64: 2000, 256>}]} {
    %get3A = arith.constant 0 : index
    %get3A_0 = arith.constant 0 : index
    %get3A_1 = vector.load %arg1[%get3A, %get3A_0] : memref<2000x256xbf16, #tpu.memory_space<vmem>>, vector<2000x256xbf16>
    %convert_element_type3A = arith.extf %get3A_1 : vector<2000x256xbf16> to vector<2000x256xf32>
    %get3A_2 = arith.constant 0 : index
    %get3A_3 = arith.constant 0 : index
    %get3A_4 = vector.load %arg2[%get3A_2, %get3A_3] : memref<2000x128xf32, #tpu.memory_space<vmem>>, vector<2000x128xf32>
    %get3A_5 = arith.constant 256 : index
    %get3A_6 = arith.constant 0 : index
    %get3A_7 = vector.load %arg4[%get3A_5, %get3A_6] : memref<512x256xf32, #tpu.memory_space<vmem>>, vector<128x256xf32>
    %dot_general3A = arith.constant dense<0.000000e+00> : vector<2000x256xf32>
    %dot_general3A_8 = tpu.matmul %get3A_4, %get3A_7, %dot_general3A {dimension_numbers = #tpu.dot_dimension_numbers<[1], [0], [0], [1], [0, 0, 1, 1], [], []>, transpose_lhs_hint = false} : vector<2000x128xf32>, vector<128x256xf32>, vector<2000x256xf32> -> vector<2000x256xf32>
    %add3A = arith.addf %convert_element_type3A, %dot_general3A_8 : vector<2000x256xf32>
    %get3A_9 = arith.constant 0 : index
    %get3A_10 = arith.constant 0 : index
    %get3A_11 = vector.load %arg3[%get3A_9, %get3A_10] : memref<2000x128xf32, #tpu.memory_space<vmem>>, vector<2000x128xf32>
    %get3A_12 = arith.constant 384 : index
    %get3A_13 = arith.constant 0 : index
    %get3A_14 = vector.load %arg4[%get3A_12, %get3A_13] : memref<512x256xf32, #tpu.memory_space<vmem>>, vector<128x256xf32>
    %dot_general3A_15 = arith.constant dense<0.000000e+00> : vector<2000x256xf32>
    %dot_general3A_16 = tpu.matmul %get3A_11, %get3A_14, %dot_general3A_15 {dimension_numbers = #tpu.dot_dimension_numbers<[1], [0], [0], [1], [0, 0, 1, 1], [], []>, transpose_lhs_hint = false} : vector<2000x128xf32>, vector<128x256xf32>, vector<2000x256xf32> -> vector<2000x256xf32>
    %add3A_17 = arith.addf %add3A, %dot_general3A_16 : vector<2000x256xf32>
    %max3A = arith.constant 0.000000e+00 : f32
    %max3A_18 = vector.broadcast %max3A : f32 to vector<2000x256xf32>
    %max3A_19 = arith.maximumf %add3A_17, %max3A_18 : vector<2000x256xf32>
    %get3A_20 = arith.constant 0 : index
    %get3A_21 = arith.constant 0 : index
    %get3A_22 = vector.load %arg5[%get3A_20, %get3A_21] : memref<256x256xf32, #tpu.memory_space<vmem>>, vector<256x256xf32>
    %dot_general3A_23 = arith.constant dense<0.000000e+00> : vector<2000x256xf32>
    %dot_general3A_24 = tpu.matmul %max3A_19, %get3A_22, %dot_general3A_23 {dimension_numbers = #tpu.dot_dimension_numbers<[1], [0], [0], [1], [0, 0, 1, 1], [], []>, transpose_lhs_hint = false} : vector<2000x256xf32>, vector<256x256xf32>, vector<2000x256xf32> -> vector<2000x256xf32>
    %get3A_25 = arith.constant 0 : index
    %get3A_26 = arith.constant 0 : index
    %get3A_27 = vector.load %arg6[%get3A_25, %get3A_26] : memref<1x256xf32, #tpu.memory_space<vmem>>, vector<1x256xf32>
    %add3A_28 = vector.broadcast %get3A_27 : vector<1x256xf32> to vector<2000x256xf32>
    %add3A_29 = arith.addf %dot_general3A_24, %add3A_28 : vector<2000x256xf32>
    %swap3A = arith.constant 0 : index
    %swap3A_30 = arith.constant 0 : index
    %swap3A_31 = vector.load %arg7[%swap3A, %swap3A_30] : memref<2000x256xf32, #tpu.memory_space<vmem>>, vector<2000x256xf32>
    tpu.vector_store %arg7[%swap3A, %swap3A_30], %add3A_29 {strides = array<i32>} : memref<2000x256xf32, #tpu.memory_space<vmem>>, vector<2000x256xf32>,
    return
  }
  func.func @transform_0(%arg0: i32) -> (i32, i32) {
    %c0_i32 = arith.constant 0 : i32
    %c0_i32_0 = arith.constant 0 : i32
    return %arg0, %c0_i32 : i32, i32
  }
  func.func @transform_1(%arg0: i32) -> (i32, i32) {
    %c0_i32 = arith.constant 0 : i32
    %c0_i32_0 = arith.constant 0 : i32
    return %arg0, %c0_i32 : i32, i32
  }
  func.func @transform_2(%arg0: i32) -> (i32, i32) {
    %c0_i32 = arith.constant 0 : i32
    %c0_i32_0 = arith.constant 0 : i32
    return %arg0, %c0_i32 : i32, i32
  }
  func.func @transform_3(%arg0: i32) -> (i32, i32) {
    %c0_i32 = arith.constant 0 : i32
    %c0_i32_0 = arith.constant 0 : i32
    %c0_i32_1 = arith.constant 0 : i32
    return %c0_i32, %c0_i32_0 : i32, i32
  }
  func.func @transform_4(%arg0: i32) -> (i32, i32) {
    %c0_i32 = arith.constant 0 : i32
    %c0_i32_0 = arith.constant 0 : i32
    %c0_i32_1 = arith.constant 0 : i32
    return %c0_i32, %c0_i32_0 : i32, i32
  }
  func.func @transform_5(%arg0: i32) -> (i32, i32) {
    %c0_i32 = arith.constant 0 : i32
    %c0_i32_0 = arith.constant 0 : i32
    %c0_i32_1 = arith.constant 0 : i32
    return %c0_i32, %c0_i32_0 : i32, i32
  }
  func.func @transform_6(%arg0: i32) -> (i32, i32) {
    %c0_i32 = arith.constant 0 : i32
    %c0_i32_0 = arith.constant 0 : i32
    return %arg0, %c0_i32 : i32, i32
  }
}

</mosaic_0001>

<sc_bundles>
// kernel: kernel.5.cloned.1.call-start
scs
__scs_entry_jumppad:
0x0: {  	(pc) =	sbr.rel $0x88, $3  }
0x1: {  	(tag) =	ssettag $0x0;
	lr =	simm.s32 $0x1  }
0x2: {  	[smem:$0x3F9A] =	sst lr;
	_ =	strace $0xD0000000  }
0x3: {  	_ = 	snop  }
0x4: {  	_ = 	snop  }
0x5: {  	_ = 	snop  }
0x6: {  	_ = 	snop  }
0x7: {  	_ = 	snop  }
__scs_overlays_trampoline_lowered:
0x8: {  	[smem:$0x3FA9] =	sst s0  }
0x9: {  	[smem:$0x3FAA] =	sst s1  }
0xa: {  	[smem:$0x3FAB] =	sst s2  }
0xb: {  	[smem:$0x3FAC] =	sst s3  }
0xc: {  	[smem:$0x3FAD] =	sst s4  }
0xd: {  	[smem:$0x3FAE] =	sst s5  }
0xe: {  	[smem:$0x3FAF] =	sst s6  }
0xf: {  	[smem:$0x3FB0] =	sst s7  }
0x10: {  	[smem:$0x3FB1] =	sst s8  }
0x11: {  	[smem:$0x3FB2] =	sst s9;
	s0 =	simm.s32 @!p0 $0x0  }
0x12: {  	s1 =	sld [smem:$0x3F98];
	s0 =	simm.s32 @p0 $0x1  }
0x13: {  	[smem:$0x3FB3] =	sst s0;
	s0 =	simm.s32 @!p1 $0x0  }
0x14: {  	s2 =	sld [smem:$0x3F97];
	s0 =	simm.s32 @p1 $0x1  }
0x15: {  	[smem:$0x3FB4] =	sst s0;
	s0 =	simm.s32 @!p2 $0x0  }
0x16: {  	s3 =	sld [smem:$0x3FDB];
	s0 =	simm.s32 @p2 $0x1  }
0x17: {  	s4 =	simm.s32 $0x1BF5;
	[smem:$0x3FB6] =	sst s0  }
0x18: {  	s0 =	sld [smem:$0x3F99];
	_ =	swait.ge [sflag:s4], $0x0  }
0x19: {  	s7 =	sld [smem:$0x3F9A]  }
0x1a: {  	s8 =	sadd.s32 $0xFFFFE003, lr  }
0x1b: {  	s9 =	sadd.s32 $0xFFFFFEF7, lr;
	s5 =	simm.s32 $0xFFFFFFFF;
	p2 =	slt.u32 s8, $0xFFFFF086  }
0x1c: {  	p1 =	slt.u32 s9, $0xF7A;
	s5 =	simm.s32 @!p2 $0x0  }
0x1d: {  	s5 =	simm.s32 @p1 $0x1;
	p0 =	seq.s32 s7, s2  }
0x1e: {  	s7 =	smul.u32 @!p0 $0xF7A, s2;
	p2 =	seq.s32 @!p0 s5, $0x0  }
0x1f: {  	s9 =	smul.u32 $0xF7A, s1;
	s8 =	simm.s32 @!p0 $0x1BF5;
	p2 =	por !p2, p0  }
0x20: {  	[sflag:s8] =	ssyncset.s32 @!p0 $0xFFFFF086;
	s6 =	sadd.s32 @!p0 s3, s7;
	s7 =	simm.s32 @!p0 $0x108  }
0x21: {  	s3 =	sadd.s32 s3, s9;
	s6 =	sadd.s32 @!p0 $0x88, s6;
	s7 =	simm.s32 @p2 $0x1082  }
0x22: {  	[simem:s7], [sflag:s8] =	dma.local @!p0 [hbm:s6], $0xF7A  }
0x23: {  	s9 =	sor.u32 $0xD0000000, s2;
	s6 =	simm.s32 $0x108;
	_ =	swait.ge @!p0 [sflag:s8], $0x0  }
0x24: {  	s3 =	sadd.s32 $0x88, s3;
	s6 =	simm.s32 @!p1 $0x1082;
	[sflag:s4] =	ssyncset.s32 $0xFFFFF086  }
0x25: {  	[simem:s6], [sflag:s4] =	dma.local [hbm:s3], $0xF7A  }
0x26: {  	[smem:$0x3F9A] =	sst s1;
	(tag) =	ssettag s2;
	_ =	strace s9  }
0x27: {  	s1 =	sld [smem:$0x3FAA]  }
0x28: {  	s2 =	sld [smem:$0x3FAB]  }
0x29: {  	s4 =	sld [smem:$0x3FAD]  }
0x2a: {  	p0 =	seq.s32 s5, $0x0;
	s5 =	sld [smem:$0x3FAE]  }
0x2b: {  	s6 =	sld [smem:$0x3FAF]  }
0x2c: {  	s7 =	sld [smem:$0x3FB0]  }
0x2d: {  	s3 =	simm.s32 $0x108;
	s8 =	sld [smem:$0x3FB1]  }
0x2e: {  	s3 =	simm.s32 @!p0 $0x1082;
	s9 =	sld [smem:$0x3FB2]  }
0x2f: {  	lr =	sadd.s32 s0, s3;
	s0 =	sld [smem:$0x3FA9]  }
0x30: {  	s3 =	sld [smem:$0x3FAC]  }
0x31: {  	[smem:$0x3FB5] =	sst s10  }
0x32: {  	s10 =	sld [smem:$0x3FB3];
	_ =	sdelay $0x3  }
0x33: {  	p0 =	seq.s32 s10, $0x1;
	s10 =	sld [smem:$0x3FB5];
	_ =	sdelay $0x3  }
0x34: {  	[smem:$0x3FB5] =	sst s10  }
0x35: {  	s10 =	sld [smem:$0x3FB4];
	_ =	sdelay $0x3  }
0x36: {  	p1 =	seq.s32 s10, $0x1;
	s10 =	sld [smem:$0x3FB5];
	_ =	sdelay $0x3  }
0x37: {  	[smem:$0x3FB5] =	sst s10  }
0x38: {  	s10 =	sld [smem:$0x3FB6]  }
0x39: {  	_ = 	snop;
	(pc) =	sbr.ind lr, $3  }
0x3a: {  	_ = 	snop  }
0x3b: {  	_ = 	snop  }
0x3c: {  	p2 =	seq.s32 s10, $0x1;
	s10 =	sld [smem:$0x3FB5]  }
0x3d: {  	_ =	shalt  }
0x3e: {  	_ =	shalt  }
0x3f: {  	_ =	shalt  }
0x40: {  	_ =	shalt  }
0x41: {  	_ =	shalt  }
0x42: {  	_ =	shalt  }
0x43: {  	_ =	shalt  }
0x44: {  	_ =	shalt  }
0x45: {  	_ =	shalt  }
0x46: {  	_ =	shalt  }
0x47: {  	_ =	shalt  }
0x48: {  	_ =	shalt  }
0x49: {  	_ =	shalt  }
0x4a: {  	_ =	shalt  }
0x4b: {  	_ =	shalt  }
0x4c: {  	_ =	shalt  }
0x4d: {  	_ =	shalt  }
0x4e: {  	_ =	shalt  }
0x4f: {  	_ =	shalt  }
0x50: {  	_ =	shalt  }
0x51: {  	_ =	shalt  }
0x52: {  	_ =	shalt  }
0x53: {  	_ =	shalt  }
0x54: {  	_ =	shalt  }
0x55: {  	_ =	shalt  }
0x56: {  	_ =	shalt  }
0x57: {  	_ =	shalt  }
0x58: {  	_ =	shalt  }
0x59: {  	_ =	shalt  }
0x5a: {  	_ =	shalt  }
0x5b: {  	_ =	shalt  }
0x5c: {  	_ =	shalt  }
0x5d: {  	_ =	shalt  }
0x5e: {  	_ =	shalt  }
0x5f: {  	_ =	shalt  }
0x60: {  	_ =	shalt  }
0x61: {  	_ =	shalt  }
0x62: {  	_ =	shalt  }
0x63: {  	_ =	shalt  }
0x64: {  	_ =	shalt  }
0x65: {  	_ =	shalt  }
0x66: {  	_ =	shalt  }
0x67: {  	_ =	shalt  }
0x68: {  	_ =	shalt  }
0x69: {  	_ =	shalt  }
0x6a: {  	_ =	shalt  }
0x6b: {  	_ =	shalt  }
0x6c: {  	_ =	shalt  }
0x6d: {  	_ =	shalt  }
0x6e: {  	_ =	shalt  }
0x6f: {  	_ =	shalt  }
0x70: {  	_ =	shalt  }
0x71: {  	_ =	shalt  }
0x72: {  	_ =	shalt  }
0x73: {  	_ =	shalt  }
0x74: {  	_ =	shalt  }
0x75: {  	_ =	shalt  }
0x76: {  	_ =	shalt  }
0x77: {  	_ =	shalt  }
0x78: {  	_ =	shalt  }
0x79: {  	_ =	shalt  }
0x7a: {  	_ =	shalt  }
0x7b: {  	_ =	shalt  }
0x7c: {  	_ =	shalt  }
0x7d: {  	_ =	shalt  }
0x7e: {  	_ =	shalt  }
0x7f: {  	_ =	shalt  }
0x80: {  	_ =	shalt  }
0x81: {  	_ =	shalt  }
0x82: {  	_ =	shalt  }
0x83: {  	_ =	shalt  }
0x84: {  	_ =	shalt  }
0x85: {  	_ =	shalt  }
0x86: {  	_ =	shalt  }
0x87: {  	_ =	shalt  }
.Lfunc_end0:
.L_simem_size_0:
called_computation_lowered:
.L_overlay_start_0:
0x88: {  	s2 =	sld [smem:$0x3FD9]  }
0x89: {  	s3 =	sld [smem:$0x3FFE];
	_ =	sdelay $0x1  }
0x8a: {  	s1 =	srdreg.scid  }
0x8b: {  	s0 =	sand.u32 $0x1, s1  }
0x8c: {  	s17 =	sshll.u32 s0, $0xA;
	s2 =	sadd.s32 s3, s2  }
0x8d: {  	s2 =	sadd.s32 s2, s17  }
0x8e: {  	[smem:$0x3FC1] =	sst s2  }
0x8f: {  	_ = 	snop  }
0x90: {  	s2 =	sld [smem:$0x3FC8]  }
0x91: {  	s18 =	sld [smem:$0x3FC7]  }
0x92: {  	s4 =	sld [smem:$0x3FD0];
	(tm) =	ssettm $0x1  }
0x93: {  	s5 =	sld [smem:$0x3FFB];
	_ =	sdelay $0x3  }
0x94: {  	_ =	strace s5  }
0x95: {  	s5 =	sld [smem:$0x3FFC];
	_ =	sdelay $0x3  }
0x96: {  	_ =	strace s5  }
0x97: {  	s5 =	sld [smem:$0x3FFD];
	_ =	sdelay $0x3  }
0x98: {  	_ =	strace s5  }
0x99: {  	_ =	strace $0x8FFFFFFF  }
0x9a: {  	s19 =	sld [smem:$0x3FDB];
	_ =	sdelay $0x1  }
0x9b: {  	s6 =	simm.s32 $_scs_section_size  }
0x9c: {  	s7 =	simm.s32 $_size__tile_overlayer_lowered;
	s8 =	simm.s32 $_tile_overlayer_lowered  }
0x9d: {  	s22 =	simm.s32 $0x1BFF;
	s21 =	sshll.u32 s8, $0x1;
	s5 =	sadd.s32 s6, s19  }
0x9e: {  	s9 =	simm.s32 $0x0;
	s20 =	sshll.u32 s7, $0x1;
	s7 =	sadd.s32 s21, s5  }
0x9f: {  	[timem:s9], [sflag:s22] =	dma.local [hbm:s7], s20  }
0xa0: {  	_ =	swait.ge [sflag:s22], s20  }
0xa1: {  	s6 =	ssub.s32 $0x0, s20;
	[sflag:s22] =	ssyncset.done $0x0  }
0xa2: {  	[sflag:s22] =	ssyncadd.s32 s6;
	_ =	sdelay $0x1  }
0xa3: {  	s23 =	simm.s32 $0x1B8B  }
0xa4: {  	_ =	swait.ge [sflag:s23], $0x1  }
0xa5: {  	[sflag:s23] =	ssyncset.done $0x0  }
0xa6: {  	s25 =	simm.s32 $0x1B8E;
	s24 =	sld [smem:$0x3FFE];
	[sflag:s23] =	ssyncadd.s32 $0xFFFFFFFF  }
0xa7: {  	s26 =	simm.s32 $execute0_lowered;
	[smem:$0x3FD2] =	sst s25  }
0xa8: {  	s7 =	sshll.u32 s26, $0x1;
	_ =	strace $0x80000046;
	[dreg:$0x1] =	wrdreg $0xFFFFFFFF  }
0xa9: {  	s28 =	simm.s32 $_size_execute0_lowered;
	s5 =	sadd.s32 s5, s7;
	[dreg:$0x0] =	wrdreg $0x0  }
0xaa: {  	s7 =	sshll.u32 s28, $0x1;
	[dreg:$0x2] =	wrdreg s5  }
0xab: {  	[dreg:$0x3] =	wrdreg s7  }
0xac: {  	[dreg:$0x4] =	wrdreg $0xC0  }
0xad: {  	_ =	task [dreg:s9], $0x5FFFF  }
0xae: {  	[dreg:$0x1] =	wrdreg $0xFFFFFFFF  }
0xaf: {  	[dreg:$0x0] =	wrdreg $0x60  }
0xb0: {  	[dreg:$0x2] =	wrdreg s18  }
0xb1: {  	[dreg:$0x3] =	wrdreg s2  }
0xb2: {  	[dreg:$0x4] =	wrdreg s24  }
0xb3: {  	[dreg:$0x5] =	wrdreg s4  }
0xb4: {  	[dreg:$0x6] =	wrdreg $0xC3000  }
0xb5: {  	[dreg:$0x7] =	wrdreg $0x9  }
0xb6: {  	_ =	task.clear_ibuf [dreg:s9], $0x8FFFF;
	_ =	strace $0x90000046  }
0xb7: {  	s29 =	simm.s32 $0x9;
	_ =	strace $0x80000048  }
0xb8: {  	_ =	swait.ge [sflag:s29], $0x1  }
0xb9: {  	[sflag:s29] =	ssyncadd.s32 $0xFFFFFFFF  }
0xba: {  	_ =	strace $0x90000048  }
0xbb: {  	_ =	sfence  }
0xbc: {  	s30 =	sld [smem:$0x0];
	_ =	sdelay $0x2  }
0xbd: {  	s31 =	sshll.u32 s1, $0xD;
	s1 =	sshrl.u32 s1, $0x2  }
0xbe: {  	s3 =	sand.u32 $0x4000, s31;
	s1 =	sadd.s32 s1, s30  }
0xbf: {  	s0 =	sor.u32 s3, s0;
	s1 =	sshll.u32 s1, $0x11  }
0xc0: {  	s0 =	sor.u32 s1, s0  }
0xc1: {  	s0 =	sadd.s32 $0x8F2B, s0  }
0xc2: {  	[sflag:s0] =	ssyncadd.remote.s32 $0x1  }
0xc3: {  	_ =	sfence.sel $0xFFFF  }
0xc4: {  	[dreg:$0x0] =	wrdreg $0xFFFFFFFF;
	(pc) =	sbr.abs _section_cstart, $3  }
0xc5: {  	[dreg:$0x1] =	wrdreg $0xFFFFFFFF  }
0xc6: {  	_ =	task.clear_ibuf [dreg:s9], $0x2FFFF;
	_ =	strace $0x9FFFFFFF  }
0xc7: {  	(tm) =	ssettm $0x7FFFFFFF  }
tec
execute0_lowered:
.L_overlay_start_1:
0x0: {  	(tag) =	ssettag $0x1  }
0x1: {  	s1 =	rddreg [dreg:$0x0]  }
0x2: {  	s2 =	rddreg [dreg:$0x1]  }
0x3: {  	s5 =	rddreg [dreg:$0x2]  }
0x4: {  	s0 =	rddreg [dreg:$0x3]  }
0x5: {  	s3 =	rddreg [dreg:$0x4];
	s18 =	stileid.u32;
	s4 =	simm.s32 $0x0  }
0x6: {  	s6 =	srdreg.scid;
	s31 =	simm.s32 $0x2;
	s7 =	smul.u32 $0x271, s18  }
0x7: {  	[smem:$0x7FF] =	sst s4;
	s9 =	sand.u32 $0x1, s6;
	s22 =	sadd.s32 $0x1600, s5  }
0x8: {  	p0 =	slt.u32 s18, $0x2;
	s6 =	simm.s32 $0x4F;
	s13 =	sshll.u32 s18, $0xF  }
0x9: {  	s14 =	sshll.u32 s18, $0x7;
	s15 =	sshll.u32 s18, $0x5;
	_ =	strace $0x80000047  }
0xa: {  	[dreg:$0x8] =	wrdreg s22;
	s11 =	ssub.s32 $0x2, s9;
	s6 =	simm.s32 @!p0 $0x4E  }
0xb: {  	s23 =	sshll.u32 s9, $0xA;
	s24 =	sor.u32 $0x800, s14;
	s19 =	sadd.s32 s2, s15  }
0xc: {  	s14 =	sor.u32 $0x1000, s14;
	s22 =	sshll.u32 s18, $0x6;
	p2 =	seq.s32 s9, $0x0  }
0xd: {  	p3 =	seq.s32 s9, $0x1;
	s8 =	sshrl.u32 s7, $0x3;
	s12 =	sshrl.u32 s11, $0x1  }
0xe: {  	s17 =	sor.u32 s23, s13;
	s16 =	sshll.u32 s24, $0x8;
	s13 =	sshrl.u32 s24, $0x2  }
0xf: {  	s28 =	sshll.u32 s14, $0x8;
	s14 =	sshrl.u32 s14, $0x2;
	s20 =	sadd.s32 $0x271, s7  }
0x10: {  	s7 =	sand.u32 $0x3FF8, s7;
	s24 =	sadd.s32 $0xFFFFFFFE, s6;
	[dreg:$0x9] =	wrdreg s19  }
0x11: {  	s10 =	sshll.u32 s8, $0x7;
	s11 =	ssub.s32 s11, s12;
	s25 =	sshrl.u32 s17, $0x3  }
0x12: {  	s26 =	sor.u32 s23, s16;
	s13 =	sadd.s32 s2, s13;
	s12 =	sor.u32 s23, s28  }
0x13: {  	s2 =	sadd.s32 s2, s14;
	s23 =	sadd.s32 $0xFFFFFFFF, s6;
	[dreg:$0x7] =	wrdreg s24  }
0x14: {  	s28 =	sor.u32 $0x200000, s17;
	s5 =	sadd.s32 s10, s5;
	[dreg:$0xb] =	wrdreg s13  }
0x15: {  	s15 =	sadd.s32 s1, s25;
	s12 =	sshrl.u32 s12, $0x3;
	[dreg:$0xd] =	wrdreg s2  }
0x16: {  	s2 =	sand.u32 $0x7FF8, s20;
	[dreg:$0x6] =	wrdreg s23;
	s13 =	sor.u32 $0x1C02, s22  }
0x17: {  	s25 =	sshll.u32 s8, $0xA;
	s22 =	simm.s32 $0x400;
	s23 =	simm.s32 $0x800  }
0x18: {  	[dreg:$0xa] =	wrdreg s15;
	s15 =	sshrl.u32 s26, $0x3;
	s16 =	sadd.s32 s1, s12  }
0x19: {  	s2 =	ssub.s32 s2, s7;
	s14 =	sadd.s32 s25, s3;
	s26 =	sor.u32 $0x280000, s17  }
0x1a: {  	s30 =	sadd.s32 s1, s15;
	s15 =	smul.u32 $0x4E200, s18;
	[dreg:$0xe] =	wrdreg s16  }
0x1b: {  	p1 =	seq.s32 s2, $0x270;
	p4 =	seq.s32 s2, $0x278;
	s2 =	simm.s32 @!p3 $0x0  }
0x1c: {  	s16 =	sadd.s32 $0x3E00, s5;
	s5 =	sadd.s32 $0xA00, s19;
	[dreg:$0xc] =	wrdreg s30  }
0x1d: {  	p5 =	por !p2, !p1;
	s2 =	simm.s32 @p3 $0x1;
	p1 =	por !p1, !p3  }
0x1e: {  	p2 =	por !p2, !p4;
	s30 =	smax.u32 s11, $0x1;
	s21 =	sshrl.u32 s15, $0x2  }
0x1f: {  	p0 =	por !p5, !p5;
	[smem:$0x7FC] =	sst s2;
	s2 =	simm.s32 @!p4 $0x0  }
0x20: {  	s15 =	sadd.s32 s0, s10;
	p3 =	por !p1, !p1;
	p6 =	por !p2, !p2  }
0x21: {  	[dreg:$0xf] =	wrdreg s30;
	s0 =	sshrl.u32 s26, $0x3;
	s12 =	sadd.s32 s21, s3  }
0x22: {  	s2 =	simm.s32 @p4 $0x1;
	s29 =	sadd.s32 s0, s1;
	s21 =	sor.u32 $0x180000, s17  }
0x23: {  	p4 =	por !p6, p3;
	[smem:$0x7FD] =	sst s2;
	s2 =	sshrl.u32 s28, $0x3  }
0x24: {  	s0 =	simm.s32 $0x0;
	s25 =	sshrl.u32 s12, $0x3;
	s20 =	sadd.s32 s2, s1  }
.LBB2_1:
0x25: {  	s2 =	rddreg [dreg:$0x9]  }
0x26: {  	s26 =	rddreg [dreg:$0xa]  }
0x27: {  	[tilespmem:s4], [sflag:$0x1] =	stream.linear.gather [hbm4b:s2+s4], $0x100, $0x38;
	[tilespmem:$0x1FB80] =	vst v63  }
0x28: {  	s7 =	simm.s32 $0x300;
	s8 =	rddreg [dreg:$0xb]  }
0x29: {  	[tilespmem:s7], [sflag:$0x1] =	stream.strided.gather [hbm4b:s26+s22], $0x4000, s23, s22, $0x38;
	[tilespmem:$0x1FB80] =	vst v63  }
0x2a: {  	s9 =	simm.s32 $0x100;
	s10 =	rddreg [dreg:$0xc]  }
0x2b: {  	[tilespmem:s9], [sflag:$0x1] =	stream.linear.gather [hbm4b:s8+s4], $0x100, $0x38;
	[tilespmem:$0x1FB80] =	vst v63  }
0x2c: {  	s11 =	simm.s32 $0x4300;
	s12 =	rddreg [dreg:$0xd]  }
0x2d: {  	[tilespmem:s11], [sflag:$0x1] =	stream.strided.gather [hbm4b:s10+s22], $0x4000, s23, s22, $0x38;
	[tilespmem:$0x1FB80] =	vst v63  }
0x2e: {  	s17 =	simm.s32 $0x200;
	s18 =	rddreg [dreg:$0xe]  }
0x2f: {  	[tilespmem:s17], [sflag:$0x1] =	stream.linear.gather [hbm4b:s12+s4], $0x100, $0x38;
	[tilespmem:$0x1FB80] =	vst v63  }
0x30: {  	s19 =	simm.s32 $0x8300;
	s24 =	rddreg [dreg:$0x8]  }
0x31: {  	[tilespmem:s19], [sflag:$0x1] =	stream.strided.gather [hbm4b:s18+s22], $0x4000, s23, s22, $0x38;
	[tilespmem:$0x1FB80] =	vst v63  }
0x32: {  	[spmem:s25], [sflag:s13] =	dma.local [hbm:s24], $0x2710  }
0x33: {  	_ =	swait.ge [sflag:s31], $0x2710  }
0x34: {  	[sflag:s31] =	ssyncset.done $0x0  }
0x35: {  	p1 =	sle.u32 s6, $0x0;
	[sflag:s31] =	ssyncadd.s32 $0xFFFFD8F0  }
0x36: {  	s2 =	simm.s32 @!p1 $0x1;
	[bflag:$0x0] =	sbarrier.arrive $0xFFFF  }
0x37: {  	_ =	swait.ge @!p1 [sflag:s2], $0x100  }
0x38: {  	[sflag:s2] =	ssyncset.done @!p1 $0x0  }
0x39: {  	[sflag:s2] =	ssyncadd.s32 @!p1 $0xFFFFFF00  }
0x3a: {  	p2 =	sle.u32 @!p1 s6, $0x3;
	_ =	swait.ge @!p1 [sflag:s2], $0x4000  }
0x3b: {  	p2 =	por p2, p1;
	s7 =	simm.s32 @!p1 $0x2;
	[sflag:s2] =	ssyncset.done @!p1 $0x0  }
0x3c: {  	s8 =	simm.s32 @!p1 $0x80;
	s9 =	simm.s32 @!p1 $0x300;
	[sflag:s2] =	ssyncadd.s32 @!p1 $0xFFFFC000  }
0x3d: {  	[spmem:s3] =	stream.indirect.scatter.add.f32 @!p1 [tilespmem:s9], [sflag:$0x2], $0x80, s8, s8, $0xb8;
	[tilespmem:$0x1FB80] =	vst v63  }
0x3e: {  	s2 =	sadd.s32 @!p2 $0xFFFFFC00, s5;
	s8 =	sshrl.u32 @!p2 s21, $0x3;
	_ =	swait.ge @!p1 [sflag:s7], $0x4000  }
0x3f: {  	s9 =	simm.s32 @!p2 $0x0;
	[sflag:s7] =	ssyncset.done @!p1 $0x0;
	s10 =	rddreg [dreg:$0x6]  }
0x40: {  	[sflag:s7] =	ssyncadd.s32 @!p1 $0xFFFFC000;
	s7 =	sadd.s32 @!p2 s1, s8;
	s8 =	simm.s32 @!p2 $0x400  }
0x41: {  	[tilespmem:s9], [sflag:$0x1] =	stream.linear.gather @!p2 [hbm4b:s2+s9], $0x100, $0x38;
	[tilespmem:$0x1FB80] =	vst v63  }
0x42: {  	p1 =	sle.u32 s10, $0x0;
	s2 =	simm.s32 @!p2 $0x800;
	s9 =	simm.s32 @!p2 $0x300  }
0x43: {  	[tilespmem:s9], [sflag:$0x1] =	stream.strided.gather @!p2 [hbm4b:s7+s8], $0x4000, s2, s8, $0x38;
	[tilespmem:$0x1FB80] =	vst v63  }
0x44: {  	s2 =	simm.s32 @!p1 $0x1  }
0x45: {  	_ =	swait.ge @!p1 [sflag:s2], $0x100  }
0x46: {  	[sflag:s2] =	ssyncset.done @!p1 $0x0  }
0x47: {  	[sflag:s2] =	ssyncadd.s32 @!p1 $0xFFFFFF00  }
0x48: {  	s7 =	simm.s32 @!p1 $0x4300;
	s8 =	simm.s32 @!p1 $0x2;
	_ =	swait.ge @!p1 [sflag:s2], $0x4000  }
0x49: {  	s9 =	simm.s32 @!p1 $0x180;
	p2 =	sle.u32 @!p1 s6, $0x4;
	[sflag:s2] =	ssyncset.done @!p1 $0x0  }
0x4a: {  	p2 =	por p2, p1;
	[sflag:s2] =	ssyncadd.s32 @!p1 $0xFFFFC000;
	s2 =	simm.s32 @!p1 $0x80  }
0x4b: {  	[spmem:s3] =	stream.indirect.scatter.add.f32 @!p1 [tilespmem:s7], [sflag:$0x2], $0x80, s9, s2, $0xb8;
	[tilespmem:$0x1FB80] =	vst v63  }
0x4c: {  	s10 =	simm.s32 @!p2 $0x4300;
	_ =	swait.ge @!p1 [sflag:s8], $0x4000  }
0x4d: {  	s7 =	sadd.s32 @!p2 $0xFFFFFE00, s5;
	s9 =	simm.s32 @!p2 $0x100;
	[sflag:s8] =	ssyncset.done @!p1 $0x0  }
0x4e: {  	s26 =	rddreg [dreg:$0x7];
	[sflag:s8] =	ssyncadd.s32 @!p1 $0xFFFFC000;
	s8 =	simm.s32 @!p2 $0x0  }
0x4f: {  	[tilespmem:s9], [sflag:$0x1] =	stream.linear.gather @!p2 [hbm4b:s7+s8], $0x100, $0x38;
	[tilespmem:$0x1FB80] =	vst v63  }
0x50: {  	p6 =	sle.u32 s26, $0x0;
	s7 =	simm.s32 @!p2 $0x400;
	s8 =	simm.s32 @!p2 $0x800  }
0x51: {  	[tilespmem:s10], [sflag:$0x1] =	stream.strided.gather @!p2 [hbm4b:s20+s7], $0x4000, s8, s7, $0x38;
	[tilespmem:$0x1FB80] =	vst v63  }
0x52: {  	s28 =	sadd.s32 $0x30000, s20;
	s30 =	sadd.s32 $0x600, s5;
	s7 =	simm.s32 @!p6 $0x1  }
0x53: {  	s18 =	smov.u32 s5;
	s19 =	smov.u32 s29;
	_ =	swait.ge @!p6 [sflag:s7], $0x100  }
0x54: {  	s24 =	sadd.s32 $0x180000, s21;
	s2 =	simm.s32 $0x8;
	[sflag:s7] =	ssyncset.done @!p6 $0x0  }
0x55: {  	s26 =	sadd.s32 $0x30000, s29;
	s11 =	simm.s32 @!p6 $0x8300;
	[sflag:s7] =	ssyncadd.s32 @!p6 $0xFFFFFF00  }
0x56: {  	s12 =	simm.s32 @!p6 $0x80;
	s17 =	simm.s32 @!p6 $0x280;
	_ =	swait.ge @!p6 [sflag:s7], $0x4000  }
0x57: {  	s10 =	simm.s32 @!p6 $0x2;
	p2 =	sle.u32 @!p6 s6, $0x5;
	[sflag:s7] =	ssyncset.done @!p6 $0x0  }
.LBB2_2:
0x58: {  	[sflag:s7] =	ssyncadd.s32 @!p6 $0xFFFFC000  }
0x59: {  	[spmem:s3] =	stream.indirect.scatter.add.f32 @!p6 [tilespmem:s11], [sflag:$0x2], $0x80, s17, s12, $0xb8;
	[tilespmem:$0x1FB80] =	vst v63  }
0x5a: {  	s9 =	sadd.s32 $0xFFFFFFFB, s2;
	p2 =	por p2, p6;
	_ =	swait.ge @!p6 [sflag:s10], $0x4000  }
0x5b: {  	p1 =	sge.u32 s9, s6;
	s11 =	simm.s32 @!p2 $0x8300;
	[sflag:s10] =	ssyncset.done @!p6 $0x0  }
0x5c: {  	s12 =	simm.s32 @!p2 $0x200;
	[sflag:s10] =	ssyncadd.s32 @!p6 $0xFFFFC000;
	s10 =	simm.s32 @!p2 $0x0  }
0x5d: {  	[tilespmem:s12], [sflag:$0x1] =	stream.linear.gather @!p2 [hbm4b:s18+s10], $0x100, $0x38;
	[tilespmem:$0x1FB80] =	vst v63  }
0x5e: {  	s17 =	simm.s32 @!p2 $0x800;
	s10 =	simm.s32 @!p1 $0x1;
	s12 =	simm.s32 @!p2 $0x400  }
0x5f: {  	[tilespmem:s11], [sflag:$0x1] =	stream.strided.gather @!p2 [hbm4b:s19+s12], $0x4000, s17, s12, $0x38;
	[tilespmem:$0x1FB80] =	vst v63  }
0x60: {  	_ =	swait.ge @!p1 [sflag:s10], $0x100  }
0x61: {  	s8 =	smov.u32 s2;
	[sflag:s10] =	ssyncset.done @!p1 $0x0  }
0x62: {  	s7 =	sadd.s32 @!p1 $0xFFFFFFFE, s8;
	[sflag:s10] =	ssyncadd.s32 @!p1 $0xFFFFFF00  }
0x63: {  	p2 =	sge.u32 @!p1 s7, s6;
	_ =	swait.ge @!p1 [sflag:s10], $0x4000  }
0x64: {  	s7 =	simm.s32 @!p1 $0x2;
	s11 =	simm.s32 @!p1 $0x80;
	[sflag:s10] =	ssyncset.done @!p1 $0x0  }
0x65: {  	s12 =	simm.s32 @!p1 $0x300;
	p2 =	por p2, p1;
	[sflag:s10] =	ssyncadd.s32 @!p1 $0xFFFFC000  }
0x66: {  	[spmem:s3] =	stream.indirect.scatter.add.f32 @!p1 [tilespmem:s12], [sflag:$0x2], $0x80, s11, s11, $0xb8;
	[tilespmem:$0x1FB80] =	vst v63  }
0x67: {  	s10 =	sadd.s32 @!p2 $0xFFFFFC00, s30;
	s11 =	sshrl.u32 @!p2 s24, $0x3;
	_ =	swait.ge @!p1 [sflag:s7], $0x4000  }
0x68: {  	s12 =	simm.s32 @!p2 $0x0;
	[sflag:s7] =	ssyncset.done @!p1 $0x0;
	s17 =	rddreg [dreg:$0x6]  }
0x69: {  	[sflag:s7] =	ssyncadd.s32 @!p1 $0xFFFFC000;
	s7 =	sadd.s32 @!p2 s1, s11;
	s11 =	simm.s32 @!p2 $0x400  }
0x6a: {  	[tilespmem:s12], [sflag:$0x1] =	stream.linear.gather @!p2 [hbm4b:s10+s12], $0x100, $0x38;
	[tilespmem:$0x1FB80] =	vst v63  }
0x6b: {  	p1 =	sge.u32 s9, s17;
	s10 =	simm.s32 @!p2 $0x800;
	s12 =	simm.s32 @!p2 $0x300  }
0x6c: {  	[tilespmem:s12], [sflag:$0x1] =	stream.strided.gather @!p2 [hbm4b:s7+s11], $0x4000, s10, s11, $0x38;
	[tilespmem:$0x1FB80] =	vst v63  }
0x6d: {  	s7 =	simm.s32 @!p1 $0x1  }
0x6e: {  	s2 =	sadd.s32 $0x3, s2;
	_ =	swait.ge @!p1 [sflag:s7], $0x100  }
0x6f: {  	p5 =	sne.s32 s2, $0x56;
	s18 =	smov.u32 s30;
	[sflag:s7] =	ssyncset.done @!p1 $0x0  }
0x70: {  	s19 =	smov.u32 s26;
	s10 =	sadd.s32 @!p1 $0xFFFFFFFF, s8;
	[sflag:s7] =	ssyncadd.s32 @!p1 $0xFFFFFF00  }
0x71: {  	s11 =	simm.s32 @!p1 $0x2;
	s12 =	simm.s32 @!p1 $0x180;
	_ =	swait.ge @!p1 [sflag:s7], $0x4000  }
0x72: {  	p2 =	sge.u32 @!p1 s10, s6;
	s10 =	simm.s32 @!p1 $0x4300;
	[sflag:s7] =	ssyncset.done @!p1 $0x0  }
0x73: {  	p2 =	por p2, p1;
	[sflag:s7] =	ssyncadd.s32 @!p1 $0xFFFFC000;
	s7 =	simm.s32 @!p1 $0x80  }
0x74: {  	[spmem:s3] =	stream.indirect.scatter.add.f32 @!p1 [tilespmem:s10], [sflag:$0x2], $0x80, s12, s7, $0xb8;
	[tilespmem:$0x1FB80] =	vst v63  }
0x75: {  	s17 =	simm.s32 @!p2 $0x4300;
	s10 =	sadd.s32 @!p2 $0xFFFFFE00, s30;
	_ =	swait.ge @!p1 [sflag:s11], $0x4000  }
0x76: {  	s12 =	simm.s32 @!p2 $0x100;
	[sflag:s11] =	ssyncset.done @!p1 $0x0;
	s7 =	rddreg [dreg:$0x7]  }
0x77: {  	[sflag:s11] =	ssyncadd.s32 @!p1 $0xFFFFC000;
	s11 =	simm.s32 @!p2 $0x0;
	p6 =	sge.u32 s9, s7  }
0x78: {  	[tilespmem:s12], [sflag:$0x1] =	stream.linear.gather @!p2 [hbm4b:s10+s11], $0x100, $0x38;
	[tilespmem:$0x1FB80] =	vst v63  }
0x79: {  	s10 =	simm.s32 @!p2 $0x400;
	s11 =	simm.s32 @!p2 $0x800;
	s7 =	simm.s32 @!p6 $0x1  }
0x7a: {  	[tilespmem:s17], [sflag:$0x1] =	stream.strided.gather @!p2 [hbm4b:s28+s10], $0x4000, s11, s10, $0x38;
	[tilespmem:$0x1FB80] =	vst v63  }
.Ltmp0:
0x7b: {  	s26 =	sadd.s32 $0x30000, s26;
	_ =	swait.ge @!p6 [sflag:s7], $0x100;
	(pc) =	sbr.rel @p5 .LBB2_2-.Ltmp0, $4  }
0x7c: {  	s24 =	sadd.s32 $0x180000, s24;
	s30 =	sadd.s32 $0x600, s30;
	[sflag:s7] =	ssyncset.done @!p6 $0x0  }
0x7d: {  	s12 =	simm.s32 @!p6 $0x80;
	s10 =	simm.s32 @!p6 $0x2;
	[sflag:s7] =	ssyncadd.s32 @!p6 $0xFFFFFF00  }
0x7e: {  	p2 =	sge.u32 @!p6 s8, s6;
	s28 =	sadd.s32 $0x30000, s28;
	_ =	swait.ge @!p6 [sflag:s7], $0x4000  }
0x7f: {  	s11 =	simm.s32 @!p6 $0x8300;
	s17 =	simm.s32 @!p6 $0x280;
	[sflag:s7] =	ssyncset.done @!p6 $0x0  }
0x80: {  	[sflag:s7] =	ssyncadd.s32 @!p6 $0xFFFFC000  }
0x81: {  	[spmem:s3] =	stream.indirect.scatter.add.f32 @!p6 [tilespmem:s11], [sflag:$0x2], $0x80, s17, s12, $0xb8;
	[tilespmem:$0x1FB80] =	vst v63  }
0x82: {  	_ =	swait.ge @!p6 [sflag:s10], $0x4000  }
0x83: {  	p1 =	por p2, p6;
	[sflag:s10] =	ssyncset.done @!p6 $0x0  }
0x84: {  	s2 =	simm.s32 @!p1 $0x0;
	s7 =	simm.s32 @!p1 $0x200;
	[sflag:s10] =	ssyncadd.s32 @!p6 $0xFFFFC000  }
0x85: {  	[tilespmem:s7], [sflag:$0x1] =	stream.linear.gather @!p1 [hbm4b:s18+s2], $0x100, $0x38;
	[tilespmem:$0x1FB80] =	vst v63  }
0x86: {  	s8 =	simm.s32 @!p1 $0x800;
	s2 =	simm.s32 @!p1 $0x8300;
	s7 =	simm.s32 @!p1 $0x400  }
0x87: {  	[tilespmem:s2], [sflag:$0x1] =	stream.strided.gather @!p1 [hbm4b:s19+s7], $0x4000, s8, s7, $0x38;
	[tilespmem:$0x1FB80] =	vst v63  }
0x88: {  	s2 =	sshrl.u32 @p0 s14, $0x3;
	[bflag:$0x0] =	sbarrier.arrive $0xFFFF  }
0x89: {  	[hbm:s15], [sflag:s13] =	dma.local @p0 [spmem:s2], $0x2700  }
0x8a: {  	s2 =	simm.s32 @p0 $0x2  }
0x8b: {  	_ =	swait.ge @p0 [sflag:s2], $0x2700  }
0x8c: {  	[sflag:s2] =	ssyncset.done @p0 $0x0  }
0x8d: {  	[sflag:s2] =	ssyncadd.s32 @p0 $0xFFFFD900;
	s2 =	sshrl.u32 @!p4 s14, $0x3  }
0x8e: {  	[hbm:s15], [sflag:s13] =	dma.local @!p4 [spmem:s2], $0x2780  }
0x8f: {  	s2 =	sld [smem:$0x7FD]  }
0x90: {  	s28 =	sld [smem:$0x7FC];
	_ =	sdelay $0x1  }
0x91: {  	p1 =	por @!p4 $0x1, $0x1;
	p2 =	seq.s32 s2, $0x1  }
0x92: {  	p2 =	por @!p4 p1, p1;
	p1 =	seq.s32 s28, $0x1  }
0x93: {  	s2 =	simm.s32 @!p4 $0x2;
	p1 =	por @!p3 !p2, !p1  }
0x94: {  	_ =	swait.ge @!p4 [sflag:s2], $0x2780;
	p1 =	por @!p3 !p1, !p1  }
0x95: {  	[sflag:s2] =	ssyncset.done @!p4 $0x0;
	p1 =	por !p1, p3  }
0x96: {  	[sflag:s2] =	ssyncadd.s32 @!p4 $0xFFFFD880;
	s2 =	sshrl.u32 @!p1 s14, $0x3  }
0x97: {  	[hbm:s16], [sflag:s13] =	dma.local @!p1 [spmem:s2], $0x2780  }
0x98: {  	s2 =	simm.s32 @!p1 $0x2  }
0x99: {  	_ =	swait.ge @!p1 [sflag:s2], $0x2780  }
0x9a: {  	[sflag:s2] =	ssyncset.done @!p1 $0x0  }
0x9b: {  	[sflag:s2] =	ssyncadd.s32 @!p1 $0xFFFFD880;
	s2 =	sshrl.u32 @p3 s14, $0x3  }
0x9c: {  	[hbm:s16], [sflag:s13] =	dma.local @p3 [spmem:s2], $0x2700  }
0x9d: {  	s2 =	simm.s32 @p3 $0x2  }
0x9e: {  	_ =	swait.ge @p3 [sflag:s2], $0x2700  }
0x9f: {  	s0 =	sadd.s32 $0x1, s0;
	s30 =	rddreg [dreg:$0xf]  }
0xa0: {  	p1 =	sne.s32 s0, s30  }
.Ltmp1:
0xa1: {  	_ = 	snop;
	(pc) =	sbr.rel @p1 .LBB2_1-.Ltmp1, $3  }
0xa2: {  	_ =	sdelay $0x1  }
0xa3: {  	[sflag:s2] =	ssyncset.done @p3 $0x0  }
0xa4: {  	[sflag:s2] =	ssyncadd.s32 @p3 $0xFFFFD900  }
0xa5: {  	_ =	sfence.sel $0x180000  }
0xa6: {  	[bflag:$0x0] =	sbarrier.arrive $0xFFFF  }
0xa7: {  	_ =	strace $0x90000047  }
0xa8: {  	s0 =	stileid.u32;
	[bflag:$0x2] =	sbarrier.arrive $0xFFFF  }
0xa9: {  	p0 =	sne.s32 s0, $0x0;
	s0 =	rddreg [dreg:$0x5]  }
0xaa: {  	s0 =	sadd.s32 @!p0 $0x100000, s0  }
0xab: {  	[sflag:s0] =	ssyncadd.tile.s32 @!p0 $0x1;
	_ =	shalt  }
.Lfunc_end2:
_tile_overlayer_lowered:
.L_overlay_start_2:
0xac: {  	(tag) =	ssettag $0x2  }
0xad: {  	s0 =	rddreg [dreg:$0x0];
	s2 =	stileid.u32  }
0xae: {  	s1 =	rddreg [dreg:$0x1];
	p0 =	sne.s32 s2, $0x0  }
0xaf: {  	s3 =	rddreg [dreg:$0x2];
	[bflag:$0x3] =	sbarrier.arrive $0xFFFF;
	s2 =	simm.s32 @!p0 $0x1C02  }
0xb0: {  	[timem:s3], [sflag:s2] =	dma.local @!p0 [hbm:s0], s1  }
0xb1: {  	s0 =	simm.s32 @!p0 $0x2  }
0xb2: {  	_ =	swait.ge @!p0 [sflag:s0], s1  }
0xb3: {  	s1 =	ssub.s32 @!p0 $0x0, s1;
	[sflag:s0] =	ssyncset.done @!p0 $0x0  }
0xb4: {  	[sflag:s0] =	ssyncadd.s32 @!p0 s1  }
0xb5: {  	[bflag:$0x3] =	sbarrier.arrive $0xFFFF  }
0xb6: {  	_ =	shalt  }

</sc_bundles>
